<compile_context>
chip_gen: v7x
topology: tpu7x:2x2x1
jax: 0.10.2.dev20260603
libtpu: 0.0.44.dev20260713+nightly
codegen_flags: <defaults>
</compile_context>

<pallas_src>
import functools

import jax
import jax.numpy as jnp
from jax import lax
from jax.experimental import pallas as pl
from jax.experimental.pallas import tpu as pltpu

NEG = float("-inf")
IBIG = 2 ** 30


def _topk_body(q_ref, m_ref, vals_out, idx_out, vs, is_, qn_bf, work, mxv,
               *, kt, nk, kreal):
    k = pl.program_id(0)
    n_q = qn_bf.shape[0]

    @pl.when(k == 0)
    def _():
        vs[...] = jnp.full(vs.shape, NEG, jnp.float32)
        is_[...] = jnp.full(is_.shape, IBIG, jnp.int32)
        q_blk = q_ref[...]
        q2 = jnp.sum(q_blk * q_blk, axis=1, keepdims=True)
        qn = q_blk / (jnp.sqrt(q2) + 1e-6)
        qn_bf[...] = qn.astype(jnp.bfloat16)

    m = m_ref[...]
    ss = jnp.sum(m * m, axis=1, keepdims=True)
    mn = (m / (jnp.sqrt(ss) + 1e-6)).astype(jnp.bfloat16)
    sims = lax.dot_general(mn, qn_bf[...], (((1,), (1,)), ((), ())),
                           preferred_element_type=jnp.float32)
    half = kt // 2
    cb0 = lax.broadcasted_iota(jnp.int32, (half, 1), 0)
    work[...] = sims
    mxv[0:1, :] = jnp.max(sims[:half], axis=0, keepdims=True)
    mxv[1:2, :] = jnp.max(sims[half:], axis=0, keepdims=True)

    @pl.when(k == nk - 1)
    def _():
        if nk * kt != kreal:
            for h in range(2):
                cb = k * kt + h * half + cb0
                w = jnp.where(cb < kreal, work[h * half:(h + 1) * half, :],
                              NEG)
                work[h * half:(h + 1) * half, :] = w
                mxv[h:h + 1, :] = jnp.max(w, axis=0, keepdims=True)

    def _cond(go):
        return go

    def _make_body(h):
        lo, hi = h * half, (h + 1) * half
        cb = k * kt + h * half + cb0

        def _body(_):
            mx = mxv[h:h + 1, :]
            t5 = vs[4:5, :]
            upd = mx > t5
            go = jnp.any(upd)

            @pl.when(go)
            def _():
                w = work[lo:hi, :]
                sel = jnp.min(jnp.where(w == mx, cb, IBIG), axis=0,
                              keepdims=True)
                v8 = vs[...]
                i8 = is_[...]
                ge = v8 >= mx
                gef = ge.astype(jnp.float32)
                gesh = jnp.concatenate(
                    [jnp.ones((1, n_q), jnp.float32), gef[:7]],
                    axis=0) > 0.5
                vsh = jnp.concatenate([v8[:1], v8[:7]], axis=0)
                ish = jnp.concatenate([i8[:1], i8[:7]], axis=0)
                nv = jnp.where(ge, v8, jnp.where(gesh, mx, vsh))
                ni = jnp.where(ge, i8, jnp.where(gesh, sel, ish))
                vs[...] = jnp.where(upd, nv, v8)
                is_[...] = jnp.where(upd, ni, i8)
                w2 = jnp.where(cb == sel, NEG, w)
                work[lo:hi, :] = w2
                mxv[h:h + 1, :] = jnp.max(w2, axis=0, keepdims=True)

            return go

        return _body

    lax.while_loop(_cond, _make_body(0), True)
    lax.while_loop(_cond, _make_body(1), True)

    @pl.when(k == nk - 1)
    def _():
        vals_out[...] = vs[...]
        idx_out[...] = is_[...]


def _topk_pallas(q, memory):
    qn, d = q.shape
    kreal = memory.shape[0]
    kt = 512
    nk = pl.cdiv(kreal, kt)
    body = functools.partial(_topk_body, kt=kt, nk=nk, kreal=kreal)
    return pl.pallas_call(
        body,
        grid=(nk,),
        in_specs=[
            pl.BlockSpec((qn, d), lambda k: (0, 0)),
            pl.BlockSpec((kt, d), lambda k: (k, 0)),
        ],
        out_specs=[
            pl.BlockSpec((8, qn), lambda k: (0, 0)),
            pl.BlockSpec((8, qn), lambda k: (0, 0)),
        ],
        out_shape=[
            jax.ShapeDtypeStruct((8, qn), jnp.float32),
            jax.ShapeDtypeStruct((8, qn), jnp.int32),
        ],
        scratch_shapes=[
            pltpu.VMEM((8, qn), jnp.float32),
            pltpu.VMEM((8, qn), jnp.int32),
            pltpu.VMEM((qn, d), jnp.bfloat16),
            pltpu.VMEM((kt, qn), jnp.float32),
            pltpu.VMEM((8, qn), jnp.float32),
        ],
        compiler_params=pltpu.CompilerParams(
            dimension_semantics=("arbitrary",),
        ),
    )(q, memory)


def _sc_gather(memory, idx3):
    from jax.experimental.pallas import tpu_sc as plsc

    nw, n_chunks, cw = idx3.shape
    d = memory.shape[1]
    n_rows = nw * n_chunks * cw
    mesh = plsc.VectorSubcoreMesh(core_axis_name="c", subcore_axis_name="s")
    info = plsc.get_sparse_core_info()
    nc = info.num_cores

    @functools.partial(
        pl.kernel,
        mesh=mesh,
        out_type=jax.ShapeDtypeStruct((n_rows, d), jnp.float32),
        scratch_types=[
            pltpu.VMEM((n_chunks, cw), jnp.int32),
            pltpu.VMEM((cw, d), jnp.float32),
            pltpu.SemaphoreType.DMA,
        ],
    )
    def gather_k(mem_hbm, idx_hbm, out_hbm, idx_v, rows_v, sem):
        wid = lax.axis_index("s") * nc + lax.axis_index("c")
        pltpu.sync_copy(idx_hbm.at[wid], idx_v)
        base = wid * (n_chunks * cw)
        for ch in range(n_chunks):
            pltpu.async_copy(mem_hbm.at[idx_v.at[ch]], rows_v, sem).wait()
            pltpu.sync_copy(rows_v, out_hbm.at[pl.ds(base + ch * cw, cw)])

    return gather_k(memory, idx3)


def _final_body(x_ref, neigh_ref, vals_ref, scores_ref, out_ref, loss_ref,
                *, n_tok):
    i = pl.program_id(0)
    x = x_ref[...]
    q2 = jnp.sum(x * x, axis=-1, keepdims=True)
    vals = vals_ref[...]
    w = jax.nn.softmax(vals, axis=-1)
    neigh = neigh_ref[...]
    retrieved = jnp.sum(w[..., None] * neigh, axis=2)
    mem_emb = 0.1 * x + 0.9 * retrieved
    out_ref[...] = mem_emb
    num = jnp.sum(x * mem_emb, axis=-1)
    den = (jnp.sqrt(q2[..., 0])
           * jnp.sqrt(jnp.sum(mem_emb * mem_emb, axis=-1)) + 1e-6)
    cos = num / den
    s = scores_ref[0]
    sn = s / (jnp.sum(s, axis=1, keepdims=True) + 1e-6)
    contrib = jnp.sum((1.0 - cos) * sn) / n_tok

    @pl.when(i == 0)
    def _():
        loss_ref[0, 0] = contrib

    @pl.when(i != 0)
    def _():
        loss_ref[0, 0] = loss_ref[0, 0] + contrib


def _final_pallas(x, neigh, vals5, scores):
    b, n, d = x.shape
    bb = 2
    grid = (b // bb,)
    body = functools.partial(_final_body, n_tok=float(b * n))
    return pl.pallas_call(
        body,
        grid=grid,
        in_specs=[
            pl.BlockSpec((bb, n, d), lambda i: (i, 0, 0)),
            pl.BlockSpec((bb, n, 5, d), lambda i: (i, 0, 0, 0)),
            pl.BlockSpec((bb, n, 5), lambda i: (i, 0, 0)),
            pl.BlockSpec((1, bb, n), lambda i: (i, 0, 0)),
        ],
        out_specs=[
            pl.BlockSpec((bb, n, d), lambda i: (i, 0, 0)),
            pl.BlockSpec((1, 1), lambda i: (0, 0),
                         memory_space=pltpu.SMEM),
        ],
        out_shape=[
            jax.ShapeDtypeStruct((b, n, d), jnp.float32),
            jax.ShapeDtypeStruct((1, 1), jnp.float32),
        ],
        compiler_params=pltpu.CompilerParams(
            dimension_semantics=("arbitrary",),
        ),
    )(x, neigh, vals5, scores.reshape(b // bb, bb, n))


def _run(x, memory, combined_scores):
    b, n, d = x.shape
    q = x.reshape(b * n, d)
    nq = b * n
    vals8t, idx8t = _topk_pallas(q, memory)
    idx_flat = idx8t[:5].T.reshape(nq * 5)
    n_chunks = pl.cdiv(nq * 5, 32 * 128)
    n_pad = 32 * n_chunks * 128
    idx_pad = jnp.concatenate(
        [idx_flat, jnp.zeros((n_pad - nq * 5,), jnp.int32)])
    idx3 = idx_pad.reshape(32, n_chunks, 128)
    neigh_flat = _sc_gather(memory, idx3)
    neigh = neigh_flat[:nq * 5].reshape(b, n, 5, d)
    vals5 = vals8t[:5].T.reshape(b, n, 5)
    mem_emb, loss = _final_pallas(x, neigh, vals5, combined_scores)
    return mem_emb, loss[0, 0]


def kernel(x, memory, combined_scores, num_neighbors):
    del num_neighbors
    return _run(x, memory, combined_scores)

# --- scband reference (transcript-rebuilt; emitter-appended) ---
"""Pipeline reference for scband-memory-jepa-38474317037759 (READ-ONLY COPY).

The authoritative reference and input builder live on the scoring server;
editing this copy changes nothing except your own understanding.
"""

import jax, jax.numpy as jnp
import numpy as np


def setup_inputs(seed: int = 0) -> dict:
    key = jax.random.key(seed)
    k1, k2, k3 = jax.random.split(key, 3)
    B, N, D = 16, 196, 768
    K = 100000
    x = jax.random.normal(k1, (B, N, D), dtype=jnp.float32)
    memory = jax.random.normal(k2, (K, D), dtype=jnp.float32)
    combined_scores = jax.random.uniform(k3, (B, N), dtype=jnp.float32)
    return {
        "x": x,
        "memory": memory,
        "combined_scores": combined_scores,
        "num_neighbors": 5,
    }


def reference(x, memory, combined_scores, num_neighbors):
    # Faithful jax translation of the MemoryJepa retrieval core.
    # SignalEncoder output (token embeddings x and attention-derived
    # combined_scores) are taken as inputs; the MemoryEncoder's kNN
    # retrieval against the MemoryBank is computed explicitly.
    remain_signal_ratio = 0.1
    B, N, D = x.shape
    # normalize combined_scores as in forward()
    scores = combined_scores / (combined_scores.sum(axis=1, keepdims=True) + 1e-06)
    q = x.reshape(B * N, D)
    # cosine-similarity kNN retrieval from memory bank
    qn = q / (jnp.linalg.norm(q, axis=-1, keepdims=True) + 1e-06)
    mn = memory / (jnp.linalg.norm(memory, axis=-1, keepdims=True) + 1e-06)
    sims = qn @ mn.T  # [Q, K] compute-bound matmul
    sims = sims + jnp.zeros((), sims.dtype) * jnp.asarray(num_neighbors, sims.dtype)
    k_static = 5
    vals, idx = jax.lax.top_k(sims, k_static)  # [Q, k]
    neigh = jnp.take(memory, idx, axis=0)  # gather -> [Q, k, D]
    w = jax.nn.softmax(vals, axis=-1)
    retrieved = jnp.einsum('qk,qkd->qd', w, neigh)
    # blend retained signal with retrieved memory
    mem_emb = remain_signal_ratio * q + (1.0 - remain_signal_ratio) * retrieved
    mem_emb = mem_emb.reshape(B, N, D)
    # cosine loss between signal tokens and memory embeddings, weighted by scores
    num = jnp.sum(x * mem_emb, axis=-1)
    den = jnp.linalg.norm(x, axis=-1) * jnp.linalg.norm(mem_emb, axis=-1) + 1e-06
    cos = num / den
    loss = ((1.0 - cos) * scores).mean()
    return mem_emb, loss

if __name__ == "__main__":
    import jax
    _d = setup_inputs()
    print(jax.jit(kernel)(*tuple(_d.values())))

</pallas_src>

<mosaic_0001>
#map = affine_map<(d0, d1) -> (0, 0)>
#map1 = affine_map<(d0, d1) -> (0, 0, 0)>
module attributes {stable_mosaic.version = 14 : i64} {
  func.func @gather_k(%arg0: i32, %arg1: i32, %arg2: memref<100000x768xf32, #tpu.memory_space<hbm>>, %arg3: memref<32x4x128xi32, #tpu.memory_space<hbm>>, %arg4: memref<16384x768xf32, #tpu.memory_space<hbm>>, %arg5: memref<4x128xi32, #tpu.memory_space<vmem>>, %arg6: memref<128x768xf32, #tpu.memory_space<vmem>>, %arg7: memref<!tpu.dma_semaphore, #tpu.memory_space<semaphore_mem>>) attributes {dimension_semantics = [#tpu.dimension_semantics<core_parallel>, #tpu.dimension_semantics<subcore_parallel>], iteration_bounds = array<i64: 2, 16>, scalar_prefetch = 0 : i64, scratch_operands = 3 : i64, tpu.core_type = #tpu.core_type<sc_vector_subcore>, window_params = [{transform_indices = #map}, {transform_indices = #map1}, {transform_indices = #map}]} {
    %mul3A = arith.constant 2 : i32
    %mul3A_0 = arith.muli %arg1, %mul3A : i32
    %add3A = arith.addi %mul3A_0, %arg0 : i32
    "tpu.region"() ({
      %run_scoped3A = tpu.sem_alloc : memref<!tpu.dma_semaphore, #tpu.memory_space<semaphore_mem>>
      %dma_start3A_65 = arith.constant 0 : i32
      %dma_start3A_66 = arith.constant 0 : i32
      %dma_start3A_67 = tpu.memref_slice %arg3[%add3A, %dma_start3A_65, %dma_start3A_66] : memref<32x4x128xi32, #tpu.memory_space<hbm>> -> memref<1x4x128xi32, #tpu.memory_space<hbm>>
      %dma_start3A_68 = tpu.memref_squeeze %dma_start3A_67 : memref<1x4x128xi32, #tpu.memory_space<hbm>> -> memref<4x128xi32, #tpu.memory_space<hbm>>
      %dma_start3A_69 = arith.constant 0 : i32
      %dma_start3A_70 = arith.constant 0 : i32
      %dma_start3A_71 = tpu.memref_slice %arg3[%add3A, %dma_start3A_69, %dma_start3A_70] : memref<32x4x128xi32, #tpu.memory_space<hbm>> -> memref<1x4x128xi32, #tpu.memory_space<hbm>>
      %dma_start3A_72 = tpu.memref_squeeze %dma_start3A_71 : memref<1x4x128xi32, #tpu.memory_space<hbm>> -> memref<4x128xi32, #tpu.memory_space<hbm>>
      tpu.enqueue_dma source(%dma_start3A_72 : memref<4x128xi32, #tpu.memory_space<hbm>>) target(%arg5 : memref<4x128xi32, #tpu.memory_space<vmem>>) target_semaphore(%run_scoped3A : memref<!tpu.dma_semaphore, #tpu.memory_space<semaphore_mem>>)
      %dma_wait3A_73 = arith.constant 0 : i32
      %dma_wait3A_74 = arith.constant 0 : i32
      %dma_wait3A_75 = tpu.memref_slice %arg3[%add3A, %dma_wait3A_73, %dma_wait3A_74] : memref<32x4x128xi32, #tpu.memory_space<hbm>> -> memref<1x4x128xi32, #tpu.memory_space<hbm>>
      %dma_wait3A_76 = tpu.memref_squeeze %dma_wait3A_75 : memref<1x4x128xi32, #tpu.memory_space<hbm>> -> memref<4x128xi32, #tpu.memory_space<hbm>>
      %dma_wait3A_77 = arith.constant 0 : i32
      %dma_wait3A_78 = arith.constant 0 : i32
      %dma_wait3A_79 = tpu.memref_slice %arg3[%add3A, %dma_wait3A_77, %dma_wait3A_78] : memref<32x4x128xi32, #tpu.memory_space<hbm>> -> memref<1x4x128xi32, #tpu.memory_space<hbm>>
      %dma_wait3A_80 = tpu.memref_squeeze %dma_wait3A_79 : memref<1x4x128xi32, #tpu.memory_space<hbm>> -> memref<4x128xi32, #tpu.memory_space<hbm>>
      tpu.wait_dma2 semaphore(%run_scoped3A : memref<!tpu.dma_semaphore, #tpu.memory_space<semaphore_mem>>) src(%dma_wait3A_80 : memref<4x128xi32, #tpu.memory_space<hbm>>) dst(%arg5 : memref<4x128xi32, #tpu.memory_space<vmem>>)
      tpu.yield
    }) : () -> ()
    %mul3A_1 = arith.constant 512 : i32
    %mul3A_2 = arith.muli %add3A, %mul3A_1 : i32
    %dma_start3A = arith.constant 0 : i32
    %dma_start3A_3 = arith.constant 0 : i32
    %dma_start3A_4 = tpu.memref_slice %arg5[%dma_start3A, %dma_start3A_3] : memref<4x128xi32, #tpu.memory_space<vmem>> -> memref<1x128xi32, #tpu.memory_space<vmem>>
    %dma_start3A_5 = tpu.memref_squeeze %dma_start3A_4 : memref<1x128xi32, #tpu.memory_space<vmem>> -> memref<128xi32, #tpu.memory_space<vmem>>
    %dma_start3A_6 = arith.constant 0 : i32
    %dma_start3A_7 = arith.constant 0 : i32
    %dma_start3A_8 = tpu.memref_slice %arg2[%dma_start3A_6, %dma_start3A_7] : memref<100000x768xf32, #tpu.memory_space<hbm>> -> memref<100000x768xf32, #tpu.memory_space<hbm>>
    tpu.enqueue_indirect_dma source(%dma_start3A_8 : memref<100000x768xf32, #tpu.memory_space<hbm>>) target(%arg6 : memref<128x768xf32, #tpu.memory_space<vmem>>) offsets(%dma_start3A_5 : memref<128xi32, #tpu.memory_space<vmem>>) semaphore(%arg7 : memref<!tpu.dma_semaphore, #tpu.memory_space<semaphore_mem>>)
    %dma_wait3A = arith.constant 0 : i32
    %dma_wait3A_9 = arith.constant 0 : i32
    %dma_wait3A_10 = tpu.memref_slice %arg5[%dma_wait3A, %dma_wait3A_9] : memref<4x128xi32, #tpu.memory_space<vmem>> -> memref<1x128xi32, #tpu.memory_space<vmem>>
    %dma_wait3A_11 = tpu.memref_squeeze %dma_wait3A_10 : memref<1x128xi32, #tpu.memory_space<vmem>> -> memref<128xi32, #tpu.memory_space<vmem>>
    %dma_wait3A_12 = arith.constant 0 : i32
    %dma_wait3A_13 = arith.constant 0 : i32
    %dma_wait3A_14 = tpu.memref_slice %arg2[%dma_wait3A_12, %dma_wait3A_13] : memref<100000x768xf32, #tpu.memory_space<hbm>> -> memref<100000x768xf32, #tpu.memory_space<hbm>>
    tpu.wait_indirect_dma semaphore(%arg7 : memref<!tpu.dma_semaphore, #tpu.memory_space<semaphore_mem>>) src(%dma_wait3A_14 : memref<100000x768xf32, #tpu.memory_space<hbm>>) dst(%arg6 : memref<128x768xf32, #tpu.memory_space<vmem>>)
    %add3A_15 = arith.constant 0 : i32
    %add3A_16 = arith.addi %mul3A_2, %add3A_15 : i32
    "tpu.region"() ({
      %run_scoped3A = tpu.sem_alloc : memref<!tpu.dma_semaphore, #tpu.memory_space<semaphore_mem>>
      %dma_start3A_65 = arith.constant 0 : i32
      %dma_start3A_66 = tpu.memref_slice %arg4[%add3A_16, %dma_start3A_65] : memref<16384x768xf32, #tpu.memory_space<hbm>> -> memref<128x768xf32, #tpu.memory_space<hbm>>
      %dma_start3A_67 = arith.constant 0 : i32
      %dma_start3A_68 = tpu.memref_slice %arg4[%add3A_16, %dma_start3A_67] : memref<16384x768xf32, #tpu.memory_space<hbm>> -> memref<128x768xf32, #tpu.memory_space<hbm>>
      tpu.enqueue_dma source(%arg6 : memref<128x768xf32, #tpu.memory_space<vmem>>) target(%dma_start3A_68 : memref<128x768xf32, #tpu.memory_space<hbm>>) target_semaphore(%run_scoped3A : memref<!tpu.dma_semaphore, #tpu.memory_space<semaphore_mem>>)
      %dma_wait3A_69 = arith.constant 0 : i32
      %dma_wait3A_70 = tpu.memref_slice %arg4[%add3A_16, %dma_wait3A_69] : memref<16384x768xf32, #tpu.memory_space<hbm>> -> memref<128x768xf32, #tpu.memory_space<hbm>>
      %dma_wait3A_71 = arith.constant 0 : i32
      %dma_wait3A_72 = tpu.memref_slice %arg4[%add3A_16, %dma_wait3A_71] : memref<16384x768xf32, #tpu.memory_space<hbm>> -> memref<128x768xf32, #tpu.memory_space<hbm>>
      tpu.wait_dma2 semaphore(%run_scoped3A : memref<!tpu.dma_semaphore, #tpu.memory_space<semaphore_mem>>) src(%arg6 : memref<128x768xf32, #tpu.memory_space<vmem>>) dst(%dma_wait3A_72 : memref<128x768xf32, #tpu.memory_space<hbm>>)
      tpu.yield
    }) : () -> ()
    %dma_start3A_17 = arith.constant 1 : i32
    %dma_start3A_18 = arith.constant 0 : i32
    %dma_start3A_19 = tpu.memref_slice %arg5[%dma_start3A_17, %dma_start3A_18] : memref<4x128xi32, #tpu.memory_space<vmem>> -> memref<1x128xi32, #tpu.memory_space<vmem>>
    %dma_start3A_20 = tpu.memref_squeeze %dma_start3A_19 : memref<1x128xi32, #tpu.memory_space<vmem>> -> memref<128xi32, #tpu.memory_space<vmem>>
    %dma_start3A_21 = arith.constant 0 : i32
    %dma_start3A_22 = arith.constant 0 : i32
    %dma_start3A_23 = tpu.memref_slice %arg2[%dma_start3A_21, %dma_start3A_22] : memref<100000x768xf32, #tpu.memory_space<hbm>> -> memref<100000x768xf32, #tpu.memory_space<hbm>>
    tpu.enqueue_indirect_dma source(%dma_start3A_23 : memref<100000x768xf32, #tpu.memory_space<hbm>>) target(%arg6 : memref<128x768xf32, #tpu.memory_space<vmem>>) offsets(%dma_start3A_20 : memref<128xi32, #tpu.memory_space<vmem>>) semaphore(%arg7 : memref<!tpu.dma_semaphore, #tpu.memory_space<semaphore_mem>>)
    %dma_wait3A_24 = arith.constant 1 : i32
    %dma_wait3A_25 = arith.constant 0 : i32
    %dma_wait3A_26 = tpu.memref_slice %arg5[%dma_wait3A_24, %dma_wait3A_25] : memref<4x128xi32, #tpu.memory_space<vmem>> -> memref<1x128xi32, #tpu.memory_space<vmem>>
    %dma_wait3A_27 = tpu.memref_squeeze %dma_wait3A_26 : memref<1x128xi32, #tpu.memory_space<vmem>> -> memref<128xi32, #tpu.memory_space<vmem>>
    %dma_wait3A_28 = arith.constant 0 : i32
    %dma_wait3A_29 = arith.constant 0 : i32
    %dma_wait3A_30 = tpu.memref_slice %arg2[%dma_wait3A_28, %dma_wait3A_29] : memref<100000x768xf32, #tpu.memory_space<hbm>> -> memref<100000x768xf32, #tpu.memory_space<hbm>>
    tpu.wait_indirect_dma semaphore(%arg7 : memref<!tpu.dma_semaphore, #tpu.memory_space<semaphore_mem>>) src(%dma_wait3A_30 : memref<100000x768xf32, #tpu.memory_space<hbm>>) dst(%arg6 : memref<128x768xf32, #tpu.memory_space<vmem>>)
    %add3A_31 = arith.constant 128 : i32
    %add3A_32 = arith.addi %mul3A_2, %add3A_31 : i32
    "tpu.region"() ({
      %run_scoped3A = tpu.sem_alloc : memref<!tpu.dma_semaphore, #tpu.memory_space<semaphore_mem>>
      %dma_start3A_65 = arith.constant 0 : i32
      %dma_start3A_66 = tpu.memref_slice %arg4[%add3A_32, %dma_start3A_65] : memref<16384x768xf32, #tpu.memory_space<hbm>> -> memref<128x768xf32, #tpu.memory_space<hbm>>
      %dma_start3A_67 = arith.constant 0 : i32
      %dma_start3A_68 = tpu.memref_slice %arg4[%add3A_32, %dma_start3A_67] : memref<16384x768xf32, #tpu.memory_space<hbm>> -> memref<128x768xf32, #tpu.memory_space<hbm>>
      tpu.enqueue_dma source(%arg6 : memref<128x768xf32, #tpu.memory_space<vmem>>) target(%dma_start3A_68 : memref<128x768xf32, #tpu.memory_space<hbm>>) target_semaphore(%run_scoped3A : memref<!tpu.dma_semaphore, #tpu.memory_space<semaphore_mem>>)
      %dma_wait3A_69 = arith.constant 0 : i32
      %dma_wait3A_70 = tpu.memref_slice %arg4[%add3A_32, %dma_wait3A_69] : memref<16384x768xf32, #tpu.memory_space<hbm>> -> memref<128x768xf32, #tpu.memory_space<hbm>>
      %dma_wait3A_71 = arith.constant 0 : i32
      %dma_wait3A_72 = tpu.memref_slice %arg4[%add3A_32, %dma_wait3A_71] : memref<16384x768xf32, #tpu.memory_space<hbm>> -> memref<128x768xf32, #tpu.memory_space<hbm>>
      tpu.wait_dma2 semaphore(%run_scoped3A : memref<!tpu.dma_semaphore, #tpu.memory_space<semaphore_mem>>) src(%arg6 : memref<128x768xf32, #tpu.memory_space<vmem>>) dst(%dma_wait3A_72 : memref<128x768xf32, #tpu.memory_space<hbm>>)
      tpu.yield
    }) : () -> ()
    %dma_start3A_33 = arith.constant 2 : i32
    %dma_start3A_34 = arith.constant 0 : i32
    %dma_start3A_35 = tpu.memref_slice %arg5[%dma_start3A_33, %dma_start3A_34] : memref<4x128xi32, #tpu.memory_space<vmem>> -> memref<1x128xi32, #tpu.memory_space<vmem>>
    %dma_start3A_36 = tpu.memref_squeeze %dma_start3A_35 : memref<1x128xi32, #tpu.memory_space<vmem>> -> memref<128xi32, #tpu.memory_space<vmem>>
    %dma_start3A_37 = arith.constant 0 : i32
    %dma_start3A_38 = arith.constant 0 : i32
    %dma_start3A_39 = tpu.memref_slice %arg2[%dma_start3A_37, %dma_start3A_38] : memref<100000x768xf32, #tpu.memory_space<hbm>> -> memref<100000x768xf32, #tpu.memory_space<hbm>>
    tpu.enqueue_indirect_dma source(%dma_start3A_39 : memref<100000x768xf32, #tpu.memory_space<hbm>>) target(%arg6 : memref<128x768xf32, #tpu.memory_space<vmem>>) offsets(%dma_start3A_36 : memref<128xi32, #tpu.memory_space<vmem>>) semaphore(%arg7 : memref<!tpu.dma_semaphore, #tpu.memory_space<semaphore_mem>>)
    %dma_wait3A_40 = arith.constant 2 : i32
    %dma_wait3A_41 = arith.constant 0 : i32
    %dma_wait3A_42 = tpu.memref_slice %arg5[%dma_wait3A_40, %dma_wait3A_41] : memref<4x128xi32, #tpu.memory_space<vmem>> -> memref<1x128xi32, #tpu.memory_space<vmem>>
    %dma_wait3A_43 = tpu.memref_squeeze %dma_wait3A_42 : memref<1x128xi32, #tpu.memory_space<vmem>> -> memref<128xi32, #tpu.memory_space<vmem>>
    %dma_wait3A_44 = arith.constant 0 : i32
    %dma_wait3A_45 = arith.constant 0 : i32
    %dma_wait3A_46 = tpu.memref_slice %arg2[%dma_wait3A_44, %dma_wait3A_45] : memref<100000x768xf32, #tpu.memory_space<hbm>> -> memref<100000x768xf32, #tpu.memory_space<hbm>>
    tpu.wait_indirect_dma semaphore(%arg7 : memref<!tpu.dma_semaphore, #tpu.memory_space<semaphore_mem>>) src(%dma_wait3A_46 : memref<100000x768xf32, #tpu.memory_space<hbm>>) dst(%arg6 : memref<128x768xf32, #tpu.memory_space<vmem>>)
    %add3A_47 = arith.constant 256 : i32
    %add3A_48 = arith.addi %mul3A_2, %add3A_47 : i32
    "tpu.region"() ({
      %run_scoped3A = tpu.sem_alloc : memref<!tpu.dma_semaphore, #tpu.memory_space<semaphore_mem>>
      %dma_start3A_65 = arith.constant 0 : i32
      %dma_start3A_66 = tpu.memref_slice %arg4[%add3A_48, %dma_start3A_65] : memref<16384x768xf32, #tpu.memory_space<hbm>> -> memref<128x768xf32, #tpu.memory_space<hbm>>
      %dma_start3A_67 = arith.constant 0 : i32
      %dma_start3A_68 = tpu.memref_slice %arg4[%add3A_48, %dma_start3A_67] : memref<16384x768xf32, #tpu.memory_space<hbm>> -> memref<128x768xf32, #tpu.memory_space<hbm>>
      tpu.enqueue_dma source(%arg6 : memref<128x768xf32, #tpu.memory_space<vmem>>) target(%dma_start3A_68 : memref<128x768xf32, #tpu.memory_space<hbm>>) target_semaphore(%run_scoped3A : memref<!tpu.dma_semaphore, #tpu.memory_space<semaphore_mem>>)
      %dma_wait3A_69 = arith.constant 0 : i32
      %dma_wait3A_70 = tpu.memref_slice %arg4[%add3A_48, %dma_wait3A_69] : memref<16384x768xf32, #tpu.memory_space<hbm>> -> memref<128x768xf32, #tpu.memory_space<hbm>>
      %dma_wait3A_71 = arith.constant 0 : i32
      %dma_wait3A_72 = tpu.memref_slice %arg4[%add3A_48, %dma_wait3A_71] : memref<16384x768xf32, #tpu.memory_space<hbm>> -> memref<128x768xf32, #tpu.memory_space<hbm>>
      tpu.wait_dma2 semaphore(%run_scoped3A : memref<!tpu.dma_semaphore, #tpu.memory_space<semaphore_mem>>) src(%arg6 : memref<128x768xf32, #tpu.memory_space<vmem>>) dst(%dma_wait3A_72 : memref<128x768xf32, #tpu.memory_space<hbm>>)
      tpu.yield
    }) : () -> ()
    %dma_start3A_49 = arith.constant 3 : i32
    %dma_start3A_50 = arith.constant 0 : i32
    %dma_start3A_51 = tpu.memref_slice %arg5[%dma_start3A_49, %dma_start3A_50] : memref<4x128xi32, #tpu.memory_space<vmem>> -> memref<1x128xi32, #tpu.memory_space<vmem>>
    %dma_start3A_52 = tpu.memref_squeeze %dma_start3A_51 : memref<1x128xi32, #tpu.memory_space<vmem>> -> memref<128xi32, #tpu.memory_space<vmem>>
    %dma_start3A_53 = arith.constant 0 : i32
    %dma_start3A_54 = arith.constant 0 : i32
    %dma_start3A_55 = tpu.memref_slice %arg2[%dma_start3A_53, %dma_start3A_54] : memref<100000x768xf32, #tpu.memory_space<hbm>> -> memref<100000x768xf32, #tpu.memory_space<hbm>>
    tpu.enqueue_indirect_dma source(%dma_start3A_55 : memref<100000x768xf32, #tpu.memory_space<hbm>>) target(%arg6 : memref<128x768xf32, #tpu.memory_space<vmem>>) offsets(%dma_start3A_52 : memref<128xi32, #tpu.memory_space<vmem>>) semaphore(%arg7 : memref<!tpu.dma_semaphore, #tpu.memory_space<semaphore_mem>>)
    %dma_wait3A_56 = arith.constant 3 : i32
    %dma_wait3A_57 = arith.constant 0 : i32
    %dma_wait3A_58 = tpu.memref_slice %arg5[%dma_wait3A_56, %dma_wait3A_57] : memref<4x128xi32, #tpu.memory_space<vmem>> -> memref<1x128xi32, #tpu.memory_space<vmem>>
    %dma_wait3A_59 = tpu.memref_squeeze %dma_wait3A_58 : memref<1x128xi32, #tpu.memory_space<vmem>> -> memref<128xi32, #tpu.memory_space<vmem>>
    %dma_wait3A_60 = arith.constant 0 : i32
    %dma_wait3A_61 = arith.constant 0 : i32
    %dma_wait3A_62 = tpu.memref_slice %arg2[%dma_wait3A_60, %dma_wait3A_61] : memref<100000x768xf32, #tpu.memory_space<hbm>> -> memref<100000x768xf32, #tpu.memory_space<hbm>>
    tpu.wait_indirect_dma semaphore(%arg7 : memref<!tpu.dma_semaphore, #tpu.memory_space<semaphore_mem>>) src(%dma_wait3A_62 : memref<100000x768xf32, #tpu.memory_space<hbm>>) dst(%arg6 : memref<128x768xf32, #tpu.memory_space<vmem>>)
    %add3A_63 = arith.constant 384 : i32
    %add3A_64 = arith.addi %mul3A_2, %add3A_63 : i32
    "tpu.region"() ({
      %run_scoped3A = tpu.sem_alloc : memref<!tpu.dma_semaphore, #tpu.memory_space<semaphore_mem>>
      %dma_start3A_65 = arith.constant 0 : i32
      %dma_start3A_66 = tpu.memref_slice %arg4[%add3A_64, %dma_start3A_65] : memref<16384x768xf32, #tpu.memory_space<hbm>> -> memref<128x768xf32, #tpu.memory_space<hbm>>
      %dma_start3A_67 = arith.constant 0 : i32
      %dma_start3A_68 = tpu.memref_slice %arg4[%add3A_64, %dma_start3A_67] : memref<16384x768xf32, #tpu.memory_space<hbm>> -> memref<128x768xf32, #tpu.memory_space<hbm>>
      tpu.enqueue_dma source(%arg6 : memref<128x768xf32, #tpu.memory_space<vmem>>) target(%dma_start3A_68 : memref<128x768xf32, #tpu.memory_space<hbm>>) target_semaphore(%run_scoped3A : memref<!tpu.dma_semaphore, #tpu.memory_space<semaphore_mem>>)
      %dma_wait3A_69 = arith.constant 0 : i32
      %dma_wait3A_70 = tpu.memref_slice %arg4[%add3A_64, %dma_wait3A_69] : memref<16384x768xf32, #tpu.memory_space<hbm>> -> memref<128x768xf32, #tpu.memory_space<hbm>>
      %dma_wait3A_71 = arith.constant 0 : i32
      %dma_wait3A_72 = tpu.memref_slice %arg4[%add3A_64, %dma_wait3A_71] : memref<16384x768xf32, #tpu.memory_space<hbm>> -> memref<128x768xf32, #tpu.memory_space<hbm>>
      tpu.wait_dma2 semaphore(%run_scoped3A : memref<!tpu.dma_semaphore, #tpu.memory_space<semaphore_mem>>) src(%arg6 : memref<128x768xf32, #tpu.memory_space<vmem>>) dst(%dma_wait3A_72 : memref<128x768xf32, #tpu.memory_space<hbm>>)
      tpu.yield
    }) : () -> ()
    return
  }
}

module attributes {stable_mosaic.version = 14 : i64} {
  func.func @_topk_body(%arg0: i32, %arg1: memref<3136x768xf32, #tpu.memory_space<vmem>>, %arg2: memref<512x768xf32, #tpu.memory_space<vmem>>, %arg3: memref<8x3136xf32, #tpu.memory_space<vmem>>, %arg4: memref<8x3136xi32, #tpu.memory_space<vmem>>, %arg5: memref<8x3136xf32, #tpu.memory_space<vmem>>, %arg6: memref<8x3136xi32, #tpu.memory_space<vmem>>, %arg7: memref<3136x768xbf16, #tpu.memory_space<vmem>>, %arg8: memref<512x3136xf32, #tpu.memory_space<vmem>>, %arg9: memref<8x3136xf32, #tpu.memory_space<vmem>>) attributes {dimension_semantics = [#tpu.dimension_semantics<arbitrary>], iteration_bounds = array<i64: 196>, scalar_prefetch = 0 : i64, scratch_operands = 5 : i64, tpu.core_type = #tpu.core_type<tc>, window_params = [{pipeline_mode = #tpu.pipeline_mode<synchronous>, transform_indices = @transform_0, window_bounds = array<i64: 3136, 768>}, {transform_indices = @transform_1, window_bounds = array<i64: 512, 768>}, {pipeline_mode = #tpu.pipeline_mode<synchronous>, transform_indices = @transform_2, window_bounds = array<i64: 8, 3136>}, {pipeline_mode = #tpu.pipeline_mode<synchronous>, transform_indices = @transform_3, window_bounds = array<i64: 8, 3136>}]} {
    %eq3A = arith.constant 0 : i32
    %eq3A_0 = arith.cmpi eq, %arg0, %eq3A : i32
    %convert_element_type3A = arith.extui %eq3A_0 : i1 to i32
    %cond3A = arith.constant 0 : i32
    %cond3A_1 = arith.cmpi ne, %convert_element_type3A, %cond3A : i32
    scf.if %cond3A_1 {
      %broadcast_in_dim3A_52 = arith.constant 0xFF800000 : f32
      %broadcast_in_dim3A_53 = vector.broadcast %broadcast_in_dim3A_52 : f32 to vector<8x3136xf32>
      %swap3A_54 = arith.constant 0 : index
      %swap3A_55 = arith.constant 0 : index
      %swap3A_56 = vector.load %arg5[%swap3A_54, %swap3A_55] : memref<8x3136xf32, #tpu.memory_space<vmem>>, vector<8x3136xf32>
      tpu.vector_store %arg5[%swap3A_54, %swap3A_55], %broadcast_in_dim3A_53 {strides = array<i32>} : memref<8x3136xf32, #tpu.memory_space<vmem>>, vector<8x3136xf32>,
      %broadcast_in_dim3A_57 = arith.constant 1073741824 : i32
      %broadcast_in_dim3A_58 = vector.broadcast %broadcast_in_dim3A_57 : i32 to vector<8x3136xi32>
      %swap3A_59 = arith.constant 0 : index
      %swap3A_60 = arith.constant 0 : index
      %swap3A_61 = vector.load %arg6[%swap3A_59, %swap3A_60] : memref<8x3136xi32, #tpu.memory_space<vmem>>, vector<8x3136xi32>
      tpu.vector_store %arg6[%swap3A_59, %swap3A_60], %broadcast_in_dim3A_58 {strides = array<i32>} : memref<8x3136xi32, #tpu.memory_space<vmem>>, vector<8x3136xi32>,
      %get3A_62 = arith.constant 0 : index
      %get3A_63 = arith.constant 0 : index
      %get3A_64 = vector.load %arg1[%get3A_62, %get3A_63] : memref<3136x768xf32, #tpu.memory_space<vmem>>, vector<3136x768xf32>
      %mul3A_65 = arith.mulf %get3A_64, %get3A_64 : vector<3136x768xf32>
      %reduce_sum3A_66 = arith.constant dense<0.000000e+00> : vector<3136xf32>
      %reduce_sum3A_67 = vector.multi_reduction <add>, %mul3A_65, %reduce_sum3A_66 [1] : vector<3136x768xf32> to vector<3136xf32>
      %broadcast_in_dim3A_68 = vector.shape_cast %reduce_sum3A_67 : vector<3136xf32> to vector<3136x1xf32>
      %sqrt3A_69 = math.sqrt %broadcast_in_dim3A_68 : vector<3136x1xf32>
      %add3A_70 = arith.constant 9.99999997E-7 : f32
      %add3A_71 = vector.broadcast %add3A_70 : f32 to vector<3136x1xf32>
      %add3A_72 = arith.addf %sqrt3A_69, %add3A_71 : vector<3136x1xf32>
      %div3A_73 = vector.broadcast %add3A_72 : vector<3136x1xf32> to vector<3136x768xf32>
      %div3A_74 = arith.divf %get3A_64, %div3A_73 : vector<3136x768xf32>
      %convert_element_type3A_75 = arith.truncf %div3A_74 : vector<3136x768xf32> to vector<3136x768xbf16>
      %swap3A_76 = arith.constant 0 : index
      %swap3A_77 = arith.constant 0 : index
      %swap3A_78 = vector.load %arg7[%swap3A_76, %swap3A_77] : memref<3136x768xbf16, #tpu.memory_space<vmem>>, vector<3136x768xbf16>
      tpu.vector_store %arg7[%swap3A_76, %swap3A_77], %convert_element_type3A_75 {strides = array<i32>} : memref<3136x768xbf16, #tpu.memory_space<vmem>>, vector<3136x768xbf16>,
    } else {
    }
    %get3A = arith.constant 0 : index
    %get3A_2 = arith.constant 0 : index
    %get3A_3 = vector.load %arg2[%get3A, %get3A_2] : memref<512x768xf32, #tpu.memory_space<vmem>>, vector<512x768xf32>
    %mul3A = arith.mulf %get3A_3, %get3A_3 : vector<512x768xf32>
    %reduce_sum3A = arith.constant dense<0.000000e+00> : vector<512xf32>
    %reduce_sum3A_4 = vector.multi_reduction <add>, %mul3A, %reduce_sum3A [1] : vector<512x768xf32> to vector<512xf32>
    %broadcast_in_dim3A = vector.shape_cast %reduce_sum3A_4 : vector<512xf32> to vector<512x1xf32>
    %sqrt3A = math.sqrt %broadcast_in_dim3A : vector<512x1xf32>
    %add3A = arith.constant 9.99999997E-7 : f32
    %add3A_5 = vector.broadcast %add3A : f32 to vector<512x1xf32>
    %add3A_6 = arith.addf %sqrt3A, %add3A_5 : vector<512x1xf32>
    %div3A = vector.broadcast %add3A_6 : vector<512x1xf32> to vector<512x768xf32>
    %div3A_7 = arith.divf %get3A_3, %div3A : vector<512x768xf32>
    %convert_element_type3A_8 = arith.truncf %div3A_7 : vector<512x768xf32> to vector<512x768xbf16>
    %get3A_9 = arith.constant 0 : index
    %get3A_10 = arith.constant 0 : index
    %get3A_11 = vector.load %arg7[%get3A_9, %get3A_10] : memref<3136x768xbf16, #tpu.memory_space<vmem>>, vector<3136x768xbf16>
    %dot_general3A = arith.constant dense<0.000000e+00> : vector<512x3136xf32>
    %dot_general3A_12 = tpu.matmul %convert_element_type3A_8, %get3A_11, %dot_general3A {dimension_numbers = #tpu.dot_dimension_numbers<[1], [1], [0], [0], [0, 0, 1, 0], [], []>, transpose_lhs_hint = false} : vector<512x768xbf16>, vector<3136x768xbf16>, vector<512x3136xf32> -> vector<512x3136xf32>
    %iota3A = tpu.iota {dimensions = array<i32: 0>} : vector<256x1xi32>
    %swap3A = arith.constant 0 : index
    %swap3A_13 = arith.constant 0 : index
    %swap3A_14 = vector.load %arg8[%swap3A, %swap3A_13] : memref<512x3136xf32, #tpu.memory_space<vmem>>, vector<512x3136xf32>
    tpu.vector_store %arg8[%swap3A, %swap3A_13], %dot_general3A_12 {strides = array<i32>} : memref<512x3136xf32, #tpu.memory_space<vmem>>, vector<512x3136xf32>,
    %slice3A = vector.extract_strided_slice %dot_general3A_12 {offsets = [0, 0], sizes = [256, 3136], strides = [1, 1]} : vector<512x3136xf32> to vector<256x3136xf32>
    %reduce_max3A = arith.constant dense<0xFF800000> : vector<3136xf32>
    %reduce_max3A_15 = vector.multi_reduction <maximumf>, %slice3A, %reduce_max3A [0] : vector<256x3136xf32> to vector<3136xf32>
    %broadcast_in_dim3A_16 = vector.shape_cast %reduce_max3A_15 : vector<3136xf32> to vector<1x3136xf32>
    %swap3A_17 = arith.constant 0 : index
    %swap3A_18 = arith.constant 0 : index
    %swap3A_19 = vector.load %arg9[%swap3A_17, %swap3A_18] : memref<8x3136xf32, #tpu.memory_space<vmem>>, vector<1x3136xf32>
    tpu.vector_store %arg9[%swap3A_17, %swap3A_18], %broadcast_in_dim3A_16 {strides = array<i32>} : memref<8x3136xf32, #tpu.memory_space<vmem>>, vector<1x3136xf32>,
    %slice3A_20 = vector.extract_strided_slice %dot_general3A_12 {offsets = [256, 0], sizes = [256, 3136], strides = [1, 1]} : vector<512x3136xf32> to vector<256x3136xf32>
    %reduce_max3A_21 = arith.constant dense<0xFF800000> : vector<3136xf32>
    %reduce_max3A_22 = vector.multi_reduction <maximumf>, %slice3A_20, %reduce_max3A_21 [0] : vector<256x3136xf32> to vector<3136xf32>
    %broadcast_in_dim3A_23 = vector.shape_cast %reduce_max3A_22 : vector<3136xf32> to vector<1x3136xf32>
    %swap3A_24 = arith.constant 1 : index
    %swap3A_25 = arith.constant 0 : index
    %swap3A_26 = vector.load %arg9[%swap3A_24, %swap3A_25] : memref<8x3136xf32, #tpu.memory_space<vmem>>, vector<1x3136xf32>
    tpu.vector_store %arg9[%swap3A_24, %swap3A_25], %broadcast_in_dim3A_23 {strides = array<i32>} : memref<8x3136xf32, #tpu.memory_space<vmem>>, vector<1x3136xf32>,
    %eq3A_27 = arith.constant 195 : i32
    %eq3A_28 = arith.cmpi eq, %arg0, %eq3A_27 : i32
    %convert_element_type3A_29 = arith.extui %eq3A_28 : i1 to i32
    %cond3A_30 = arith.constant 0 : i32
    %cond3A_31 = arith.cmpi ne, %convert_element_type3A_29, %cond3A_30 : i32
    scf.if %cond3A_31 {
      %mul3A_52 = arith.constant 512 : i32
      %mul3A_53 = arith.muli %arg0, %mul3A_52 : i32
      %add3A_54 = arith.constant 0 : i32
      %add3A_55 = arith.addi %mul3A_53, %add3A_54 : i32
      %add3A_56 = vector.broadcast %add3A_55 : i32 to vector<256x1xi32>
      %add3A_57 = arith.addi %add3A_56, %iota3A : vector<256x1xi32>
      %lt3A = arith.constant 100000 : i32
      %lt3A_58 = vector.broadcast %lt3A : i32 to vector<256x1xi32>
      %lt3A_59 = arith.cmpi slt, %add3A_57, %lt3A_58 : vector<256x1xi32>
      %get3A_60 = arith.constant 0 : index
      %get3A_61 = arith.constant 0 : index
      %get3A_62 = vector.load %arg8[%get3A_60, %get3A_61] : memref<512x3136xf32, #tpu.memory_space<vmem>>, vector<256x3136xf32>
      %jit3A = arith.constant 0xFF800000 : f32
      %broadcast_in_dim3A_63 = vector.shape_cast %lt3A_59 : vector<256x1xi1> to vector<256x1xi1>
      %broadcast_in_dim3A_64 = vector.broadcast %broadcast_in_dim3A_63 : vector<256x1xi1> to vector<256x3136xi1>
      %broadcast_in_dim3A_65 = vector.broadcast %jit3A : f32 to vector<256x3136xf32>
      %select_n3A = arith.select %broadcast_in_dim3A_64, %get3A_62, %broadcast_in_dim3A_65 : vector<256x3136xi1>, vector<256x3136xf32>
      %swap3A_66 = arith.constant 0 : index
      %swap3A_67 = arith.constant 0 : index
      %swap3A_68 = vector.load %arg8[%swap3A_66, %swap3A_67] : memref<512x3136xf32, #tpu.memory_space<vmem>>, vector<256x3136xf32>
      tpu.vector_store %arg8[%swap3A_66, %swap3A_67], %select_n3A {strides = array<i32>} : memref<512x3136xf32, #tpu.memory_space<vmem>>, vector<256x3136xf32>,
      %reduce_max3A_69 = arith.constant dense<0xFF800000> : vector<3136xf32>
      %reduce_max3A_70 = vector.multi_reduction <maximumf>, %select_n3A, %reduce_max3A_69 [0] : vector<256x3136xf32> to vector<3136xf32>
      %broadcast_in_dim3A_71 = vector.shape_cast %reduce_max3A_70 : vector<3136xf32> to vector<1x3136xf32>
      %swap3A_72 = arith.constant 0 : index
      %swap3A_73 = arith.constant 0 : index
      %swap3A_74 = vector.load %arg9[%swap3A_72, %swap3A_73] : memref<8x3136xf32, #tpu.memory_space<vmem>>, vector<1x3136xf32>
      tpu.vector_store %arg9[%swap3A_72, %swap3A_73], %broadcast_in_dim3A_71 {strides = array<i32>} : memref<8x3136xf32, #tpu.memory_space<vmem>>, vector<1x3136xf32>,
      %mul3A_75 = arith.constant 512 : i32
      %mul3A_76 = arith.muli %arg0, %mul3A_75 : i32
      %add3A_77 = arith.constant 256 : i32
      %add3A_78 = arith.addi %mul3A_76, %add3A_77 : i32
      %add3A_79 = vector.broadcast %add3A_78 : i32 to vector<256x1xi32>
      %add3A_80 = arith.addi %add3A_79, %iota3A : vector<256x1xi32>
      %lt3A_81 = arith.constant 100000 : i32
      %lt3A_82 = vector.broadcast %lt3A_81 : i32 to vector<256x1xi32>
      %lt3A_83 = arith.cmpi slt, %add3A_80, %lt3A_82 : vector<256x1xi32>
      %get3A_84 = arith.constant 256 : index
      %get3A_85 = arith.constant 0 : index
      %get3A_86 = vector.load %arg8[%get3A_84, %get3A_85] : memref<512x3136xf32, #tpu.memory_space<vmem>>, vector<256x3136xf32>
      %jit3A_87 = arith.constant 0xFF800000 : f32
      %broadcast_in_dim3A_88 = vector.shape_cast %lt3A_83 : vector<256x1xi1> to vector<256x1xi1>
      %broadcast_in_dim3A_89 = vector.broadcast %broadcast_in_dim3A_88 : vector<256x1xi1> to vector<256x3136xi1>
      %broadcast_in_dim3A_90 = vector.broadcast %jit3A_87 : f32 to vector<256x3136xf32>
      %select_n3A_91 = arith.select %broadcast_in_dim3A_89, %get3A_86, %broadcast_in_dim3A_90 : vector<256x3136xi1>, vector<256x3136xf32>
      %swap3A_92 = arith.constant 256 : index
      %swap3A_93 = arith.constant 0 : index
      %swap3A_94 = vector.load %arg8[%swap3A_92, %swap3A_93] : memref<512x3136xf32, #tpu.memory_space<vmem>>, vector<256x3136xf32>
      tpu.vector_store %arg8[%swap3A_92, %swap3A_93], %select_n3A_91 {strides = array<i32>} : memref<512x3136xf32, #tpu.memory_space<vmem>>, vector<256x3136xf32>,
      %reduce_max3A_95 = arith.constant dense<0xFF800000> : vector<3136xf32>
      %reduce_max3A_96 = vector.multi_reduction <maximumf>, %select_n3A_91, %reduce_max3A_95 [0] : vector<256x3136xf32> to vector<3136xf32>
      %broadcast_in_dim3A_97 = vector.shape_cast %reduce_max3A_96 : vector<3136xf32> to vector<1x3136xf32>
      %swap3A_98 = arith.constant 1 : index
      %swap3A_99 = arith.constant 0 : index
      %swap3A_100 = vector.load %arg9[%swap3A_98, %swap3A_99] : memref<8x3136xf32, #tpu.memory_space<vmem>>, vector<1x3136xf32>
      tpu.vector_store %arg9[%swap3A_98, %swap3A_99], %broadcast_in_dim3A_97 {strides = array<i32>} : memref<8x3136xf32, #tpu.memory_space<vmem>>, vector<1x3136xf32>,
    } else {
    }
    %mul3A_32 = arith.constant 512 : i32
    %mul3A_33 = arith.muli %arg0, %mul3A_32 : i32
    %add3A_34 = arith.constant 0 : i32
    %add3A_35 = arith.addi %mul3A_33, %add3A_34 : i32
    %add3A_36 = vector.broadcast %add3A_35 : i32 to vector<256x1xi32>
    %add3A_37 = arith.addi %add3A_36, %iota3A : vector<256x1xi32>
    %while3A = arith.constant true
    %while3A_38 = scf.while (%while3A_52 = %while3A) : (i1) -> i1 {
      scf.condition(%while3A_52) %while3A_52 : i1
    } do {
    ^bb0(%while3A_52: i1):
      %get3A_53 = arith.constant 0 : index
      %get3A_54 = arith.constant 0 : index
      %get3A_55 = vector.load %arg9[%get3A_53, %get3A_54] : memref<8x3136xf32, #tpu.memory_space<vmem>>, vector<1x3136xf32>
      %get3A_56 = arith.constant 4 : index
      %get3A_57 = arith.constant 0 : index
      %get3A_58 = vector.load %arg5[%get3A_56, %get3A_57] : memref<8x3136xf32, #tpu.memory_space<vmem>>, vector<1x3136xf32>
      %gt3A = arith.cmpf ogt, %get3A_55, %get3A_58 : vector<1x3136xf32>
      %reduce_or3A = arith.constant 1.000000e+00 : f32
      %reduce_or3A_59 = arith.constant 0.000000e+00 : f32
      %reduce_or3A_60 = vector.broadcast %reduce_or3A : f32 to vector<1x3136xf32>
      %reduce_or3A_61 = vector.broadcast %reduce_or3A_59 : f32 to vector<1x3136xf32>
      %reduce_or3A_62 = arith.select %gt3A, %reduce_or3A_60, %reduce_or3A_61 : vector<1x3136xi1>, vector<1x3136xf32>
      %reduce_or3A_63 = vector.shape_cast %reduce_or3A_62 : vector<1x3136xf32> to vector<1x1x3136xf32>
      %reduce_or3A_64 = arith.constant dense<0xFF800000> : vector<1xf32>
      %reduce_or3A_65 = vector.multi_reduction <maximumf>, %reduce_or3A_63, %reduce_or3A_64 [1, 2] : vector<1x1x3136xf32> to vector<1xf32>
      %reduce_or3A_66 = vector.shape_cast %reduce_or3A_65 : vector<1xf32> to vector<1x1x1xf32>
      %reduce_or3A_67 = vector.extract %reduce_or3A_66[0, 0, 0] : f32 from vector<1x1x1xf32>
      %reduce_or3A_68 = arith.constant 0.000000e+00 : f32
      %reduce_or3A_69 = arith.cmpf ogt, %reduce_or3A_67, %reduce_or3A_68 : f32
      %convert_element_type3A_70 = arith.extui %reduce_or3A_69 : i1 to i32
      %cond3A_71 = arith.constant 0 : i32
      %cond3A_72 = arith.cmpi ne, %convert_element_type3A_70, %cond3A_71 : i32
      scf.if %cond3A_72 {
        %get3A_73 = arith.constant 0 : index
        %get3A_74 = arith.constant 0 : index
        %get3A_75 = vector.load %arg8[%get3A_73, %get3A_74] : memref<512x3136xf32, #tpu.memory_space<vmem>>, vector<256x3136xf32>
        %eq3A_76 = vector.broadcast %get3A_55 : vector<1x3136xf32> to vector<256x3136xf32>
        %eq3A_77 = arith.cmpf oeq, %get3A_75, %eq3A_76 : vector<256x3136xf32>
        %jit3A = arith.constant 1073741824 : i32
        %broadcast_in_dim3A_78 = vector.shape_cast %add3A_37 : vector<256x1xi32> to vector<256x1xi32>
        %broadcast_in_dim3A_79 = vector.broadcast %broadcast_in_dim3A_78 : vector<256x1xi32> to vector<256x3136xi32>
        %broadcast_in_dim3A_80 = vector.broadcast %jit3A : i32 to vector<256x3136xi32>
        %select_n3A = arith.select %eq3A_77, %broadcast_in_dim3A_79, %broadcast_in_dim3A_80 : vector<256x3136xi1>, vector<256x3136xi32>
        %reduce_min3A = arith.constant dense<2147483647> : vector<3136xi32>
        %reduce_min3A_81 = vector.multi_reduction <minsi>, %select_n3A, %reduce_min3A [0] : vector<256x3136xi32> to vector<3136xi32>
        %broadcast_in_dim3A_82 = vector.shape_cast %reduce_min3A_81 : vector<3136xi32> to vector<1x3136xi32>
        %get3A_83 = arith.constant 0 : index
        %get3A_84 = arith.constant 0 : index
        %get3A_85 = vector.load %arg5[%get3A_83, %get3A_84] : memref<8x3136xf32, #tpu.memory_space<vmem>>, vector<8x3136xf32>
        %get3A_86 = arith.constant 0 : index
        %get3A_87 = arith.constant 0 : index
        %get3A_88 = vector.load %arg6[%get3A_86, %get3A_87] : memref<8x3136xi32, #tpu.memory_space<vmem>>, vector<8x3136xi32>
        %ge3A = vector.broadcast %get3A_55 : vector<1x3136xf32> to vector<8x3136xf32>
        %ge3A_89 = arith.cmpf oge, %get3A_85, %ge3A : vector<8x3136xf32>
        %convert_element_type3A_90 = arith.extui %ge3A_89 : vector<8x3136xi1> to vector<8x3136xi32>
        %convert_element_type3A_91 = arith.sitofp %convert_element_type3A_90 : vector<8x3136xi32> to vector<8x3136xf32>
        %broadcast_in_dim3A_92 = arith.constant 1.000000e+00 : f32
        %broadcast_in_dim3A_93 = vector.broadcast %broadcast_in_dim3A_92 : f32 to vector<1x3136xf32>
        %slice3A_94 = vector.extract_strided_slice %convert_element_type3A_91 {offsets = [0, 0], sizes = [7, 3136], strides = [1, 1]} : vector<8x3136xf32> to vector<7x3136xf32>
        %concatenate3A = tpu.concatenate %broadcast_in_dim3A_93, %slice3A_94 in 0 : vector<1x3136xf32>, vector<7x3136xf32> -> vector<8x3136xf32>
        %gt3A_95 = arith.constant 5.000000e-01 : f32
        %gt3A_96 = vector.broadcast %gt3A_95 : f32 to vector<8x3136xf32>
        %gt3A_97 = arith.cmpf ogt, %concatenate3A, %gt3A_96 : vector<8x3136xf32>
        %slice3A_98 = vector.extract_strided_slice %get3A_85 {offsets = [0, 0], sizes = [1, 3136], strides = [1, 1]} : vector<8x3136xf32> to vector<1x3136xf32>
        %slice3A_99 = vector.extract_strided_slice %get3A_85 {offsets = [0, 0], sizes = [7, 3136], strides = [1, 1]} : vector<8x3136xf32> to vector<7x3136xf32>
        %concatenate3A_100 = tpu.concatenate %slice3A_98, %slice3A_99 in 0 : vector<1x3136xf32>, vector<7x3136xf32> -> vector<8x3136xf32>
        %slice3A_101 = vector.extract_strided_slice %get3A_88 {offsets = [0, 0], sizes = [1, 3136], strides = [1, 1]} : vector<8x3136xi32> to vector<1x3136xi32>
        %slice3A_102 = vector.extract_strided_slice %get3A_88 {offsets = [0, 0], sizes = [7, 3136], strides = [1, 1]} : vector<8x3136xi32> to vector<7x3136xi32>
        %concatenate3A_103 = tpu.concatenate %slice3A_101, %slice3A_102 in 0 : vector<1x3136xi32>, vector<7x3136xi32> -> vector<8x3136xi32>
        %broadcast_in_dim3A_104 = vector.shape_cast %get3A_55 : vector<1x3136xf32> to vector<1x3136xf32>
        %broadcast_in_dim3A_105 = vector.broadcast %broadcast_in_dim3A_104 : vector<1x3136xf32> to vector<8x3136xf32>
        %select_n3A_106 = arith.select %gt3A_97, %broadcast_in_dim3A_105, %concatenate3A_100 : vector<8x3136xi1>, vector<8x3136xf32>
        %select_n3A_107 = arith.select %ge3A_89, %get3A_85, %select_n3A_106 : vector<8x3136xi1>, vector<8x3136xf32>
        %broadcast_in_dim3A_108 = vector.shape_cast %broadcast_in_dim3A_82 : vector<1x3136xi32> to vector<1x3136xi32>
        %broadcast_in_dim3A_109 = vector.broadcast %broadcast_in_dim3A_108 : vector<1x3136xi32> to vector<8x3136xi32>
        %select_n3A_110 = arith.select %gt3A_97, %broadcast_in_dim3A_109, %concatenate3A_103 : vector<8x3136xi1>, vector<8x3136xi32>
        %select_n3A_111 = arith.select %ge3A_89, %get3A_88, %select_n3A_110 : vector<8x3136xi1>, vector<8x3136xi32>
        %broadcast_in_dim3A_112 = vector.shape_cast %gt3A : vector<1x3136xi1> to vector<1x3136xi1>
        %broadcast_in_dim3A_113 = vector.broadcast %broadcast_in_dim3A_112 : vector<1x3136xi1> to vector<8x3136xi1>
        %select_n3A_114 = arith.select %broadcast_in_dim3A_113, %select_n3A_107, %get3A_85 : vector<8x3136xi1>, vector<8x3136xf32>
        %swap3A_115 = arith.constant 0 : index
        %swap3A_116 = arith.constant 0 : index
        %swap3A_117 = vector.load %arg5[%swap3A_115, %swap3A_116] : memref<8x3136xf32, #tpu.memory_space<vmem>>, vector<8x3136xf32>
        tpu.vector_store %arg5[%swap3A_115, %swap3A_116], %select_n3A_114 {strides = array<i32>} : memref<8x3136xf32, #tpu.memory_space<vmem>>, vector<8x3136xf32>,
        %broadcast_in_dim3A_118 = vector.shape_cast %gt3A : vector<1x3136xi1> to vector<1x3136xi1>
        %broadcast_in_dim3A_119 = vector.broadcast %broadcast_in_dim3A_118 : vector<1x3136xi1> to vector<8x3136xi1>
        %select_n3A_120 = arith.select %broadcast_in_dim3A_119, %select_n3A_111, %get3A_88 : vector<8x3136xi1>, vector<8x3136xi32>
        %swap3A_121 = arith.constant 0 : index
        %swap3A_122 = arith.constant 0 : index
        %swap3A_123 = vector.load %arg6[%swap3A_121, %swap3A_122] : memref<8x3136xi32, #tpu.memory_space<vmem>>, vector<8x3136xi32>
        tpu.vector_store %arg6[%swap3A_121, %swap3A_122], %select_n3A_120 {strides = array<i32>} : memref<8x3136xi32, #tpu.memory_space<vmem>>, vector<8x3136xi32>,
        %eq3A_124 = vector.broadcast %add3A_37 : vector<256x1xi32> to vector<256x3136xi32>
        %eq3A_125 = vector.broadcast %broadcast_in_dim3A_82 : vector<1x3136xi32> to vector<256x3136xi32>
        %eq3A_126 = arith.cmpi eq, %eq3A_124, %eq3A_125 : vector<256x3136xi32>
        %jit3A_127 = arith.constant 0xFF800000 : f32
        %broadcast_in_dim3A_128 = vector.broadcast %jit3A_127 : f32 to vector<256x3136xf32>
        %select_n3A_129 = arith.select %eq3A_126, %broadcast_in_dim3A_128, %get3A_75 : vector<256x3136xi1>, vector<256x3136xf32>
        %swap3A_130 = arith.constant 0 : index
        %swap3A_131 = arith.constant 0 : index
        %swap3A_132 = vector.load %arg8[%swap3A_130, %swap3A_131] : memref<512x3136xf32, #tpu.memory_space<vmem>>, vector<256x3136xf32>
        tpu.vector_store %arg8[%swap3A_130, %swap3A_131], %select_n3A_129 {strides = array<i32>} : memref<512x3136xf32, #tpu.memory_space<vmem>>, vector<256x3136xf32>,
        %reduce_max3A_133 = arith.constant dense<0xFF800000> : vector<3136xf32>
        %reduce_max3A_134 = vector.multi_reduction <maximumf>, %select_n3A_129, %reduce_max3A_133 [0] : vector<256x3136xf32> to vector<3136xf32>
        %broadcast_in_dim3A_135 = vector.shape_cast %reduce_max3A_134 : vector<3136xf32> to vector<1x3136xf32>
        %swap3A_136 = arith.constant 0 : index
        %swap3A_137 = arith.constant 0 : index
        %swap3A_138 = vector.load %arg9[%swap3A_136, %swap3A_137] : memref<8x3136xf32, #tpu.memory_space<vmem>>, vector<1x3136xf32>
        tpu.vector_store %arg9[%swap3A_136, %swap3A_137], %broadcast_in_dim3A_135 {strides = array<i32>} : memref<8x3136xf32, #tpu.memory_space<vmem>>, vector<1x3136xf32>,
      } else {
      }
      scf.yield %reduce_or3A_69 : i1
    }
    %mul3A_39 = arith.constant 512 : i32
    %mul3A_40 = arith.muli %arg0, %mul3A_39 : i32
    %add3A_41 = arith.constant 256 : i32
    %add3A_42 = arith.addi %mul3A_40, %add3A_41 : i32
    %add3A_43 = vector.broadcast %add3A_42 : i32 to vector<256x1xi32>
    %add3A_44 = arith.addi %add3A_43, %iota3A : vector<256x1xi32>
    %while3A_45 = arith.constant true
    %while3A_46 = scf.while (%while3A_52 = %while3A_45) : (i1) -> i1 {
      scf.condition(%while3A_52) %while3A_52 : i1
    } do {
    ^bb0(%while3A_52: i1):
      %get3A_53 = arith.constant 1 : index
      %get3A_54 = arith.constant 0 : index
      %get3A_55 = vector.load %arg9[%get3A_53, %get3A_54] : memref<8x3136xf32, #tpu.memory_space<vmem>>, vector<1x3136xf32>
      %get3A_56 = arith.constant 4 : index
      %get3A_57 = arith.constant 0 : index
      %get3A_58 = vector.load %arg5[%get3A_56, %get3A_57] : memref<8x3136xf32, #tpu.memory_space<vmem>>, vector<1x3136xf32>
      %gt3A = arith.cmpf ogt, %get3A_55, %get3A_58 : vector<1x3136xf32>
      %reduce_or3A = arith.constant 1.000000e+00 : f32
      %reduce_or3A_59 = arith.constant 0.000000e+00 : f32
      %reduce_or3A_60 = vector.broadcast %reduce_or3A : f32 to vector<1x3136xf32>
      %reduce_or3A_61 = vector.broadcast %reduce_or3A_59 : f32 to vector<1x3136xf32>
      %reduce_or3A_62 = arith.select %gt3A, %reduce_or3A_60, %reduce_or3A_61 : vector<1x3136xi1>, vector<1x3136xf32>
      %reduce_or3A_63 = vector.shape_cast %reduce_or3A_62 : vector<1x3136xf32> to vector<1x1x3136xf32>
      %reduce_or3A_64 = arith.constant dense<0xFF800000> : vector<1xf32>
      %reduce_or3A_65 = vector.multi_reduction <maximumf>, %reduce_or3A_63, %reduce_or3A_64 [1, 2] : vector<1x1x3136xf32> to vector<1xf32>
      %reduce_or3A_66 = vector.shape_cast %reduce_or3A_65 : vector<1xf32> to vector<1x1x1xf32>
      %reduce_or3A_67 = vector.extract %reduce_or3A_66[0, 0, 0] : f32 from vector<1x1x1xf32>
      %reduce_or3A_68 = arith.constant 0.000000e+00 : f32
      %reduce_or3A_69 = arith.cmpf ogt, %reduce_or3A_67, %reduce_or3A_68 : f32
      %convert_element_type3A_70 = arith.extui %reduce_or3A_69 : i1 to i32
      %cond3A_71 = arith.constant 0 : i32
      %cond3A_72 = arith.cmpi ne, %convert_element_type3A_70, %cond3A_71 : i32
      scf.if %cond3A_72 {
        %get3A_73 = arith.constant 256 : index
        %get3A_74 = arith.constant 0 : index
        %get3A_75 = vector.load %arg8[%get3A_73, %get3A_74] : memref<512x3136xf32, #tpu.memory_space<vmem>>, vector<256x3136xf32>
        %eq3A_76 = vector.broadcast %get3A_55 : vector<1x3136xf32> to vector<256x3136xf32>
        %eq3A_77 = arith.cmpf oeq, %get3A_75, %eq3A_76 : vector<256x3136xf32>
        %jit3A = arith.constant 1073741824 : i32
        %broadcast_in_dim3A_78 = vector.shape_cast %add3A_44 : vector<256x1xi32> to vector<256x1xi32>
        %broadcast_in_dim3A_79 = vector.broadcast %broadcast_in_dim3A_78 : vector<256x1xi32> to vector<256x3136xi32>
        %broadcast_in_dim3A_80 = vector.broadcast %jit3A : i32 to vector<256x3136xi32>
        %select_n3A = arith.select %eq3A_77, %broadcast_in_dim3A_79, %broadcast_in_dim3A_80 : vector<256x3136xi1>, vector<256x3136xi32>
        %reduce_min3A = arith.constant dense<2147483647> : vector<3136xi32>
        %reduce_min3A_81 = vector.multi_reduction <minsi>, %select_n3A, %reduce_min3A [0] : vector<256x3136xi32> to vector<3136xi32>
        %broadcast_in_dim3A_82 = vector.shape_cast %reduce_min3A_81 : vector<3136xi32> to vector<1x3136xi32>
        %get3A_83 = arith.constant 0 : index
        %get3A_84 = arith.constant 0 : index
        %get3A_85 = vector.load %arg5[%get3A_83, %get3A_84] : memref<8x3136xf32, #tpu.memory_space<vmem>>, vector<8x3136xf32>
        %get3A_86 = arith.constant 0 : index
        %get3A_87 = arith.constant 0 : index
        %get3A_88 = vector.load %arg6[%get3A_86, %get3A_87] : memref<8x3136xi32, #tpu.memory_space<vmem>>, vector<8x3136xi32>
        %ge3A = vector.broadcast %get3A_55 : vector<1x3136xf32> to vector<8x3136xf32>
        %ge3A_89 = arith.cmpf oge, %get3A_85, %ge3A : vector<8x3136xf32>
        %convert_element_type3A_90 = arith.extui %ge3A_89 : vector<8x3136xi1> to vector<8x3136xi32>
        %convert_element_type3A_91 = arith.sitofp %convert_element_type3A_90 : vector<8x3136xi32> to vector<8x3136xf32>
        %broadcast_in_dim3A_92 = arith.constant 1.000000e+00 : f32
        %broadcast_in_dim3A_93 = vector.broadcast %broadcast_in_dim3A_92 : f32 to vector<1x3136xf32>
        %slice3A_94 = vector.extract_strided_slice %convert_element_type3A_91 {offsets = [0, 0], sizes = [7, 3136], strides = [1, 1]} : vector<8x3136xf32> to vector<7x3136xf32>
        %concatenate3A = tpu.concatenate %broadcast_in_dim3A_93, %slice3A_94 in 0 : vector<1x3136xf32>, vector<7x3136xf32> -> vector<8x3136xf32>
        %gt3A_95 = arith.constant 5.000000e-01 : f32
        %gt3A_96 = vector.broadcast %gt3A_95 : f32 to vector<8x3136xf32>
        %gt3A_97 = arith.cmpf ogt, %concatenate3A, %gt3A_96 : vector<8x3136xf32>
        %slice3A_98 = vector.extract_strided_slice %get3A_85 {offsets = [0, 0], sizes = [1, 3136], strides = [1, 1]} : vector<8x3136xf32> to vector<1x3136xf32>
        %slice3A_99 = vector.extract_strided_slice %get3A_85 {offsets = [0, 0], sizes = [7, 3136], strides = [1, 1]} : vector<8x3136xf32> to vector<7x3136xf32>
        %concatenate3A_100 = tpu.concatenate %slice3A_98, %slice3A_99 in 0 : vector<1x3136xf32>, vector<7x3136xf32> -> vector<8x3136xf32>
        %slice3A_101 = vector.extract_strided_slice %get3A_88 {offsets = [0, 0], sizes = [1, 3136], strides = [1, 1]} : vector<8x3136xi32> to vector<1x3136xi32>
        %slice3A_102 = vector.extract_strided_slice %get3A_88 {offsets = [0, 0], sizes = [7, 3136], strides = [1, 1]} : vector<8x3136xi32> to vector<7x3136xi32>
        %concatenate3A_103 = tpu.concatenate %slice3A_101, %slice3A_102 in 0 : vector<1x3136xi32>, vector<7x3136xi32> -> vector<8x3136xi32>
        %broadcast_in_dim3A_104 = vector.shape_cast %get3A_55 : vector<1x3136xf32> to vector<1x3136xf32>
        %broadcast_in_dim3A_105 = vector.broadcast %broadcast_in_dim3A_104 : vector<1x3136xf32> to vector<8x3136xf32>
        %select_n3A_106 = arith.select %gt3A_97, %broadcast_in_dim3A_105, %concatenate3A_100 : vector<8x3136xi1>, vector<8x3136xf32>
        %select_n3A_107 = arith.select %ge3A_89, %get3A_85, %select_n3A_106 : vector<8x3136xi1>, vector<8x3136xf32>
        %broadcast_in_dim3A_108 = vector.shape_cast %broadcast_in_dim3A_82 : vector<1x3136xi32> to vector<1x3136xi32>
        %broadcast_in_dim3A_109 = vector.broadcast %broadcast_in_dim3A_108 : vector<1x3136xi32> to vector<8x3136xi32>
        %select_n3A_110 = arith.select %gt3A_97, %broadcast_in_dim3A_109, %concatenate3A_103 : vector<8x3136xi1>, vector<8x3136xi32>
        %select_n3A_111 = arith.select %ge3A_89, %get3A_88, %select_n3A_110 : vector<8x3136xi1>, vector<8x3136xi32>
        %broadcast_in_dim3A_112 = vector.shape_cast %gt3A : vector<1x3136xi1> to vector<1x3136xi1>
        %broadcast_in_dim3A_113 = vector.broadcast %broadcast_in_dim3A_112 : vector<1x3136xi1> to vector<8x3136xi1>
        %select_n3A_114 = arith.select %broadcast_in_dim3A_113, %select_n3A_107, %get3A_85 : vector<8x3136xi1>, vector<8x3136xf32>
        %swap3A_115 = arith.constant 0 : index
        %swap3A_116 = arith.constant 0 : index
        %swap3A_117 = vector.load %arg5[%swap3A_115, %swap3A_116] : memref<8x3136xf32, #tpu.memory_space<vmem>>, vector<8x3136xf32>
        tpu.vector_store %arg5[%swap3A_115, %swap3A_116], %select_n3A_114 {strides = array<i32>} : memref<8x3136xf32, #tpu.memory_space<vmem>>, vector<8x3136xf32>,
        %broadcast_in_dim3A_118 = vector.shape_cast %gt3A : vector<1x3136xi1> to vector<1x3136xi1>
        %broadcast_in_dim3A_119 = vector.broadcast %broadcast_in_dim3A_118 : vector<1x3136xi1> to vector<8x3136xi1>
        %select_n3A_120 = arith.select %broadcast_in_dim3A_119, %select_n3A_111, %get3A_88 : vector<8x3136xi1>, vector<8x3136xi32>
        %swap3A_121 = arith.constant 0 : index
        %swap3A_122 = arith.constant 0 : index
        %swap3A_123 = vector.load %arg6[%swap3A_121, %swap3A_122] : memref<8x3136xi32, #tpu.memory_space<vmem>>, vector<8x3136xi32>
        tpu.vector_store %arg6[%swap3A_121, %swap3A_122], %select_n3A_120 {strides = array<i32>} : memref<8x3136xi32, #tpu.memory_space<vmem>>, vector<8x3136xi32>,
        %eq3A_124 = vector.broadcast %add3A_44 : vector<256x1xi32> to vector<256x3136xi32>
        %eq3A_125 = vector.broadcast %broadcast_in_dim3A_82 : vector<1x3136xi32> to vector<256x3136xi32>
        %eq3A_126 = arith.cmpi eq, %eq3A_124, %eq3A_125 : vector<256x3136xi32>
        %jit3A_127 = arith.constant 0xFF800000 : f32
        %broadcast_in_dim3A_128 = vector.broadcast %jit3A_127 : f32 to vector<256x3136xf32>
        %select_n3A_129 = arith.select %eq3A_126, %broadcast_in_dim3A_128, %get3A_75 : vector<256x3136xi1>, vector<256x3136xf32>
        %swap3A_130 = arith.constant 256 : index
        %swap3A_131 = arith.constant 0 : index
        %swap3A_132 = vector.load %arg8[%swap3A_130, %swap3A_131] : memref<512x3136xf32, #tpu.memory_space<vmem>>, vector<256x3136xf32>
        tpu.vector_store %arg8[%swap3A_130, %swap3A_131], %select_n3A_129 {strides = array<i32>} : memref<512x3136xf32, #tpu.memory_space<vmem>>, vector<256x3136xf32>,
        %reduce_max3A_133 = arith.constant dense<0xFF800000> : vector<3136xf32>
        %reduce_max3A_134 = vector.multi_reduction <maximumf>, %select_n3A_129, %reduce_max3A_133 [0] : vector<256x3136xf32> to vector<3136xf32>
        %broadcast_in_dim3A_135 = vector.shape_cast %reduce_max3A_134 : vector<3136xf32> to vector<1x3136xf32>
        %swap3A_136 = arith.constant 1 : index
        %swap3A_137 = arith.constant 0 : index
        %swap3A_138 = vector.load %arg9[%swap3A_136, %swap3A_137] : memref<8x3136xf32, #tpu.memory_space<vmem>>, vector<1x3136xf32>
        tpu.vector_store %arg9[%swap3A_136, %swap3A_137], %broadcast_in_dim3A_135 {strides = array<i32>} : memref<8x3136xf32, #tpu.memory_space<vmem>>, vector<1x3136xf32>,
      } else {
      }
      scf.yield %reduce_or3A_69 : i1
    }
    %eq3A_47 = arith.constant 195 : i32
    %eq3A_48 = arith.cmpi eq, %arg0, %eq3A_47 : i32
    %convert_element_type3A_49 = arith.extui %eq3A_48 : i1 to i32
    %cond3A_50 = arith.constant 0 : i32
    %cond3A_51 = arith.cmpi ne, %convert_element_type3A_49, %cond3A_50 : i32
    scf.if %cond3A_51 {
      %get3A_52 = arith.constant 0 : index
      %get3A_53 = arith.constant 0 : index
      %get3A_54 = vector.load %arg5[%get3A_52, %get3A_53] : memref<8x3136xf32, #tpu.memory_space<vmem>>, vector<8x3136xf32>
      %swap3A_55 = arith.constant 0 : index
      %swap3A_56 = arith.constant 0 : index
      %swap3A_57 = vector.load %arg3[%swap3A_55, %swap3A_56] : memref<8x3136xf32, #tpu.memory_space<vmem>>, vector<8x3136xf32>
      tpu.vector_store %arg3[%swap3A_55, %swap3A_56], %get3A_54 {strides = array<i32>} : memref<8x3136xf32, #tpu.memory_space<vmem>>, vector<8x3136xf32>,
      %get3A_58 = arith.constant 0 : index
      %get3A_59 = arith.constant 0 : index
      %get3A_60 = vector.load %arg6[%get3A_58, %get3A_59] : memref<8x3136xi32, #tpu.memory_space<vmem>>, vector<8x3136xi32>
      %swap3A_61 = arith.constant 0 : index
      %swap3A_62 = arith.constant 0 : index
      %swap3A_63 = vector.load %arg4[%swap3A_61, %swap3A_62] : memref<8x3136xi32, #tpu.memory_space<vmem>>, vector<8x3136xi32>
      tpu.vector_store %arg4[%swap3A_61, %swap3A_62], %get3A_60 {strides = array<i32>} : memref<8x3136xi32, #tpu.memory_space<vmem>>, vector<8x3136xi32>,
    } else {
    }
    return
  }
  func.func @transform_0(%arg0: i32) -> (i32, i32) {
    %c0_i32 = arith.constant 0 : i32
    %c0_i32_0 = arith.constant 0 : i32
    %c0_i32_1 = arith.constant 0 : i32
    return %c0_i32, %c0_i32_0 : i32, i32
  }
  func.func @transform_1(%arg0: i32) -> (i32, i32) {
    %c0_i32 = arith.constant 0 : i32
    %c0_i32_0 = arith.constant 0 : i32
    return %arg0, %c0_i32 : i32, i32
  }
  func.func @transform_2(%arg0: i32) -> (i32, i32) {
    %c0_i32 = arith.constant 0 : i32
    %c0_i32_0 = arith.constant 0 : i32
    %c0_i32_1 = arith.constant 0 : i32
    return %c0_i32, %c0_i32_0 : i32, i32
  }
  func.func @transform_3(%arg0: i32) -> (i32, i32) {
    %c0_i32 = arith.constant 0 : i32
    %c0_i32_0 = arith.constant 0 : i32
    %c0_i32_1 = arith.constant 0 : i32
    return %c0_i32, %c0_i32_0 : i32, i32
  }
}

module attributes {stable_mosaic.version = 14 : i64} {
  func.func @_final_body(%arg0: i32, %arg1: memref<2x196x768xf32, #tpu.memory_space<vmem>>, %arg2: memref<2x196x5x768xf32, #tpu.memory_space<vmem>>, %arg3: memref<2x196x5xf32, #tpu.memory_space<vmem>>, %arg4: memref<1x2x196xf32, #tpu.memory_space<vmem>>, %arg5: memref<2x196x768xf32, #tpu.memory_space<vmem>>, %arg6: memref<1x1xf32, #tpu.memory_space<smem>>) attributes {dimension_semantics = [#tpu.dimension_semantics<arbitrary>], iteration_bounds = array<i64: 8>, scalar_prefetch = 0 : i64, scratch_operands = 0 : i64, tpu.core_type = #tpu.core_type<tc>, window_params = [{transform_indices = @transform_0, window_bounds = array<i64: 2, 196, 768>}, {transform_indices = @transform_1, window_bounds = array<i64: 2, 196, 5, 768>}, {transform_indices = @transform_2, window_bounds = array<i64: 2, 196, 5>}, {transform_indices = @transform_3, window_bounds = array<i64: 1, 2, 196>}, {transform_indices = @transform_4, window_bounds = array<i64: 2, 196, 768>}, {transform_indices = @transform_5, window_bounds = array<i64: 1, 1>}]} {
    %get3A = arith.constant 0 : index
    %get3A_0 = arith.constant 0 : index
    %get3A_1 = arith.constant 0 : index
    %get3A_2 = vector.load %arg1[%get3A, %get3A_0, %get3A_1] : memref<2x196x768xf32, #tpu.memory_space<vmem>>, vector<2x196x768xf32>
    %mul3A = arith.mulf %get3A_2, %get3A_2 : vector<2x196x768xf32>
    %reduce_sum3A = arith.constant dense<0.000000e+00> : vector<2x196xf32>
    %reduce_sum3A_3 = vector.multi_reduction <add>, %mul3A, %reduce_sum3A [2] : vector<2x196x768xf32> to vector<2x196xf32>
    %broadcast_in_dim3A = vector.shape_cast %reduce_sum3A_3 : vector<2x196xf32> to vector<2x196x1xf32>
    %get3A_4 = arith.constant 0 : index
    %get3A_5 = arith.constant 0 : index
    %get3A_6 = arith.constant 0 : index
    %get3A_7 = vector.load %arg3[%get3A_4, %get3A_5, %get3A_6] : memref<2x196x5xf32, #tpu.memory_space<vmem>>, vector<2x196x5xf32>
    %reduce_max3A = arith.constant dense<0xFF800000> : vector<2x196xf32>
    %reduce_max3A_8 = vector.multi_reduction <maximumf>, %get3A_7, %reduce_max3A [2] : vector<2x196x5xf32> to vector<2x196xf32>
    %max3A = arith.constant 0xFF800000 : f32
    %max3A_9 = vector.broadcast %max3A : f32 to vector<2x196xf32>
    %max3A_10 = arith.maximumf %max3A_9, %reduce_max3A_8 : vector<2x196xf32>
    %broadcast_in_dim3A_11 = vector.shape_cast %max3A_10 : vector<2x196xf32> to vector<2x196x1xf32>
    %sub3A = vector.broadcast %broadcast_in_dim3A_11 : vector<2x196x1xf32> to vector<2x196x5xf32>
    %sub3A_12 = arith.subf %get3A_7, %sub3A : vector<2x196x5xf32>
    %exp3A = math.exp %sub3A_12 : vector<2x196x5xf32>
    %reduce_sum3A_13 = arith.constant dense<0.000000e+00> : vector<2x196xf32>
    %reduce_sum3A_14 = vector.multi_reduction <add>, %exp3A, %reduce_sum3A_13 [2] : vector<2x196x5xf32> to vector<2x196xf32>
    %broadcast_in_dim3A_15 = vector.shape_cast %reduce_sum3A_14 : vector<2x196xf32> to vector<2x196x1xf32>
    %div3A = vector.broadcast %broadcast_in_dim3A_15 : vector<2x196x1xf32> to vector<2x196x5xf32>
    %div3A_16 = arith.divf %exp3A, %div3A : vector<2x196x5xf32>
    %get3A_17 = arith.constant 0 : index
    %get3A_18 = arith.constant 0 : index
    %get3A_19 = arith.constant 0 : index
    %get3A_20 = arith.constant 0 : index
    %get3A_21 = vector.load %arg2[%get3A_17, %get3A_18, %get3A_19, %get3A_20] : memref<2x196x5x768xf32, #tpu.memory_space<vmem>>, vector<2x196x5x768xf32>
    %broadcast_in_dim3A_22 = vector.shape_cast %div3A_16 : vector<2x196x5xf32> to vector<2x196x5x1xf32>
    %mul3A_23 = vector.broadcast %broadcast_in_dim3A_22 : vector<2x196x5x1xf32> to vector<2x196x5x768xf32>
    %mul3A_24 = arith.mulf %mul3A_23, %get3A_21 : vector<2x196x5x768xf32>
    %reduce_sum3A_25 = arith.constant dense<0.000000e+00> : vector<2x196x768xf32>
    %reduce_sum3A_26 = vector.multi_reduction <add>, %mul3A_24, %reduce_sum3A_25 [2] : vector<2x196x5x768xf32> to vector<2x196x768xf32>
    %mul3A_27 = arith.constant 1.000000e-01 : f32
    %mul3A_28 = vector.broadcast %mul3A_27 : f32 to vector<2x196x768xf32>
    %mul3A_29 = arith.mulf %mul3A_28, %get3A_2 : vector<2x196x768xf32>
    %mul3A_30 = arith.constant 0.899999976 : f32
    %mul3A_31 = vector.broadcast %mul3A_30 : f32 to vector<2x196x768xf32>
    %mul3A_32 = arith.mulf %mul3A_31, %reduce_sum3A_26 : vector<2x196x768xf32>
    %add3A = arith.addf %mul3A_29, %mul3A_32 : vector<2x196x768xf32>
    %swap3A = arith.constant 0 : index
    %swap3A_33 = arith.constant 0 : index
    %swap3A_34 = arith.constant 0 : index
    %swap3A_35 = vector.load %arg5[%swap3A, %swap3A_33, %swap3A_34] : memref<2x196x768xf32, #tpu.memory_space<vmem>>, vector<2x196x768xf32>
    tpu.vector_store %arg5[%swap3A, %swap3A_33, %swap3A_34], %add3A {strides = array<i32>} : memref<2x196x768xf32, #tpu.memory_space<vmem>>, vector<2x196x768xf32>,
    %mul3A_36 = arith.mulf %get3A_2, %add3A : vector<2x196x768xf32>
    %reduce_sum3A_37 = arith.constant dense<0.000000e+00> : vector<2x196xf32>
    %reduce_sum3A_38 = vector.multi_reduction <add>, %mul3A_36, %reduce_sum3A_37 [2] : vector<2x196x768xf32> to vector<2x196xf32>
    %squeeze3A = vector.shape_cast %broadcast_in_dim3A : vector<2x196x1xf32> to vector<2x196xf32>
    %sqrt3A = math.sqrt %squeeze3A : vector<2x196xf32>
    %mul3A_39 = arith.mulf %add3A, %add3A : vector<2x196x768xf32>
    %reduce_sum3A_40 = arith.constant dense<0.000000e+00> : vector<2x196xf32>
    %reduce_sum3A_41 = vector.multi_reduction <add>, %mul3A_39, %reduce_sum3A_40 [2] : vector<2x196x768xf32> to vector<2x196xf32>
    %sqrt3A_42 = math.sqrt %reduce_sum3A_41 : vector<2x196xf32>
    %mul3A_43 = arith.mulf %sqrt3A, %sqrt3A_42 : vector<2x196xf32>
    %add3A_44 = arith.constant 9.99999997E-7 : f32
    %add3A_45 = vector.broadcast %add3A_44 : f32 to vector<2x196xf32>
    %add3A_46 = arith.addf %mul3A_43, %add3A_45 : vector<2x196xf32>
    %div3A_47 = arith.divf %reduce_sum3A_38, %add3A_46 : vector<2x196xf32>
    %get3A_48 = arith.constant 0 : index
    %get3A_49 = arith.constant 0 : index
    %get3A_50 = arith.constant 0 : index
    %get3A_51 = vector.load %arg4[%get3A_48, %get3A_49, %get3A_50] : memref<1x2x196xf32, #tpu.memory_space<vmem>>, vector<1x2x196xf32>
    %get3A_52 = vector.shape_cast %get3A_51 : vector<1x2x196xf32> to vector<2x196xf32>
    %reduce_sum3A_53 = arith.constant dense<0.000000e+00> : vector<2xf32>
    %reduce_sum3A_54 = vector.multi_reduction <add>, %get3A_52, %reduce_sum3A_53 [1] : vector<2x196xf32> to vector<2xf32>
    %broadcast_in_dim3A_55 = vector.shape_cast %reduce_sum3A_54 : vector<2xf32> to vector<2x1xf32>
    %add3A_56 = arith.constant 9.99999997E-7 : f32
    %add3A_57 = vector.broadcast %add3A_56 : f32 to vector<2x1xf32>
    %add3A_58 = arith.addf %broadcast_in_dim3A_55, %add3A_57 : vector<2x1xf32>
    %div3A_59 = vector.broadcast %add3A_58 : vector<2x1xf32> to vector<2x196xf32>
    %div3A_60 = arith.divf %get3A_52, %div3A_59 : vector<2x196xf32>
    %sub3A_61 = arith.constant 1.000000e+00 : f32
    %sub3A_62 = vector.broadcast %sub3A_61 : f32 to vector<2x196xf32>
    %sub3A_63 = arith.subf %sub3A_62, %div3A_47 : vector<2x196xf32>
    %mul3A_64 = arith.mulf %sub3A_63, %div3A_60 : vector<2x196xf32>
    %reduce_sum3A_65 = vector.shape_cast %mul3A_64 : vector<2x196xf32> to vector<1x2x196xf32>
    %reduce_sum3A_66 = arith.constant dense<0.000000e+00> : vector<1xf32>
    %reduce_sum3A_67 = vector.multi_reduction <add>, %reduce_sum3A_65, %reduce_sum3A_66 [1, 2] : vector<1x2x196xf32> to vector<1xf32>
    %reduce_sum3A_68 = vector.shape_cast %reduce_sum3A_67 : vector<1xf32> to vector<1x1x1xf32>
    %reduce_sum3A_69 = vector.extract %reduce_sum3A_68[0, 0, 0] : f32 from vector<1x1x1xf32>
    %div3A_70 = arith.constant 3.136000e+03 : f32
    %div3A_71 = arith.divf %reduce_sum3A_69, %div3A_70 : f32
    %eq3A = arith.constant 0 : i32
    %eq3A_72 = arith.cmpi eq, %arg0, %eq3A : i32
    %convert_element_type3A = arith.extui %eq3A_72 : i1 to i32
    %cond3A = arith.constant 0 : i32
    %cond3A_73 = arith.cmpi ne, %convert_element_type3A, %cond3A : i32
    scf.if %cond3A_73 {
      %swap3A_78 = arith.constant 0 : index
      %swap3A_79 = arith.constant 0 : index
      %swap3A_80 = memref.load %arg6[%swap3A_78, %swap3A_79] : memref<1x1xf32, #tpu.memory_space<smem>>
      memref.store %div3A_71, %arg6[%swap3A_78, %swap3A_79] : memref<1x1xf32, #tpu.memory_space<smem>>
    } else {
    }
    %ne3A = arith.constant 0 : i32
    %ne3A_74 = arith.cmpi ne, %arg0, %ne3A : i32
    %convert_element_type3A_75 = arith.extui %ne3A_74 : i1 to i32
    %cond3A_76 = arith.constant 0 : i32
    %cond3A_77 = arith.cmpi ne, %convert_element_type3A_75, %cond3A_76 : i32
    scf.if %cond3A_77 {
      %get3A_78 = arith.constant 0 : index
      %get3A_79 = arith.constant 0 : index
      %get3A_80 = memref.load %arg6[%get3A_78, %get3A_79] : memref<1x1xf32, #tpu.memory_space<smem>>
      %add3A_81 = arith.addf %get3A_80, %div3A_71 : f32
      %swap3A_82 = arith.constant 0 : index
      %swap3A_83 = arith.constant 0 : index
      %swap3A_84 = memref.load %arg6[%swap3A_82, %swap3A_83] : memref<1x1xf32, #tpu.memory_space<smem>>
      memref.store %add3A_81, %arg6[%swap3A_82, %swap3A_83] : memref<1x1xf32, #tpu.memory_space<smem>>
    } else {
    }
    return
  }
  func.func @transform_0(%arg0: i32) -> (i32, i32, i32) {
    %c0_i32 = arith.constant 0 : i32
    %c0_i32_0 = arith.constant 0 : i32
    %c0_i32_1 = arith.constant 0 : i32
    return %arg0, %c0_i32, %c0_i32_0 : i32, i32, i32
  }
  func.func @transform_1(%arg0: i32) -> (i32, i32, i32, i32) {
    %c0_i32 = arith.constant 0 : i32
    %c0_i32_0 = arith.constant 0 : i32
    %c0_i32_1 = arith.constant 0 : i32
    %c0_i32_2 = arith.constant 0 : i32
    return %arg0, %c0_i32, %c0_i32_0, %c0_i32_1 : i32, i32, i32, i32
  }
  func.func @transform_2(%arg0: i32) -> (i32, i32, i32) {
    %c0_i32 = arith.constant 0 : i32
    %c0_i32_0 = arith.constant 0 : i32
    %c0_i32_1 = arith.constant 0 : i32
    return %arg0, %c0_i32, %c0_i32_0 : i32, i32, i32
  }
  func.func @transform_3(%arg0: i32) -> (i32, i32, i32) {
    %c0_i32 = arith.constant 0 : i32
    %c0_i32_0 = arith.constant 0 : i32
    %c0_i32_1 = arith.constant 0 : i32
    return %arg0, %c0_i32, %c0_i32_0 : i32, i32, i32
  }
  func.func @transform_4(%arg0: i32) -> (i32, i32, i32) {
    %c0_i32 = arith.constant 0 : i32
    %c0_i32_0 = arith.constant 0 : i32
    %c0_i32_1 = arith.constant 0 : i32
    return %arg0, %c0_i32, %c0_i32_0 : i32, i32, i32
  }
  func.func @transform_5(%arg0: i32) -> (i32, i32) {
    %c0_i32 = arith.constant 0 : i32
    %c0_i32_0 = arith.constant 0 : i32
    %c0_i32_1 = arith.constant 0 : i32
    return %c0_i32, %c0_i32_0 : i32, i32
  }
}

</mosaic_0001>

<sc_bundles>
// kernel: kernel.5.cloned.1.call-start
scs
__scs_entry_jumppad:
0x0: {  	(pc) =	sbr.rel $0x88, $3  }
0x1: {  	(tag) =	ssettag $0x0;
	lr =	simm.s32 $0x1  }
0x2: {  	[smem:$0x3F9E] =	sst lr;
	_ =	strace $0xD0000000  }
0x3: {  	_ = 	snop  }
0x4: {  	_ = 	snop  }
0x5: {  	_ = 	snop  }
0x6: {  	_ = 	snop  }
0x7: {  	_ = 	snop  }
__scs_overlays_trampoline_lowered:
0x8: {  	[smem:$0x3FAD] =	sst s0  }
0x9: {  	[smem:$0x3FAE] =	sst s1  }
0xa: {  	[smem:$0x3FAF] =	sst s2  }
0xb: {  	[smem:$0x3FB0] =	sst s3  }
0xc: {  	[smem:$0x3FB1] =	sst s4  }
0xd: {  	[smem:$0x3FB2] =	sst s5  }
0xe: {  	[smem:$0x3FB3] =	sst s6  }
0xf: {  	[smem:$0x3FB4] =	sst s7  }
0x10: {  	[smem:$0x3FB5] =	sst s8  }
0x11: {  	[smem:$0x3FB6] =	sst s9;
	s0 =	simm.s32 @!p0 $0x0  }
0x12: {  	s1 =	sld [smem:$0x3F9C];
	s0 =	simm.s32 @p0 $0x1  }
0x13: {  	[smem:$0x3FB7] =	sst s0;
	s0 =	simm.s32 @!p1 $0x0  }
0x14: {  	s2 =	sld [smem:$0x3F9B];
	s0 =	simm.s32 @p1 $0x1  }
0x15: {  	[smem:$0x3FB8] =	sst s0;
	s0 =	simm.s32 @!p2 $0x0  }
0x16: {  	s3 =	sld [smem:$0x3FDB];
	s0 =	simm.s32 @p2 $0x1  }
0x17: {  	s4 =	simm.s32 $0x1BF5;
	[smem:$0x3FBA] =	sst s0  }
0x18: {  	s0 =	sld [smem:$0x3F9D];
	_ =	swait.ge [sflag:s4], $0x0  }
0x19: {  	s7 =	sld [smem:$0x3F9E]  }
0x1a: {  	s8 =	sadd.s32 $0xFFFFE003, lr  }
0x1b: {  	s9 =	sadd.s32 $0xFFFFFEF7, lr;
	s5 =	simm.s32 $0xFFFFFFFF;
	p2 =	slt.u32 s8, $0xFFFFF086  }
0x1c: {  	p1 =	slt.u32 s9, $0xF7A;
	s5 =	simm.s32 @!p2 $0x0  }
0x1d: {  	s5 =	simm.s32 @p1 $0x1;
	p0 =	seq.s32 s7, s2  }
0x1e: {  	s7 =	smul.u32 @!p0 $0xF7A, s2;
	p2 =	seq.s32 @!p0 s5, $0x0  }
0x1f: {  	s9 =	smul.u32 $0xF7A, s1;
	s8 =	simm.s32 @!p0 $0x1BF5;
	p2 =	por !p2, p0  }
0x20: {  	[sflag:s8] =	ssyncset.s32 @!p0 $0xFFFFF086;
	s6 =	sadd.s32 @!p0 s3, s7;
	s7 =	simm.s32 @!p0 $0x108  }
0x21: {  	s3 =	sadd.s32 s3, s9;
	s6 =	sadd.s32 @!p0 $0x88, s6;
	s7 =	simm.s32 @p2 $0x1082  }
0x22: {  	[simem:s7], [sflag:s8] =	dma.local @!p0 [hbm:s6], $0xF7A  }
0x23: {  	s9 =	sor.u32 $0xD0000000, s2;
	s6 =	simm.s32 $0x108;
	_ =	swait.ge @!p0 [sflag:s8], $0x0  }
0x24: {  	s3 =	sadd.s32 $0x88, s3;
	s6 =	simm.s32 @!p1 $0x1082;
	[sflag:s4] =	ssyncset.s32 $0xFFFFF086  }
0x25: {  	[simem:s6], [sflag:s4] =	dma.local [hbm:s3], $0xF7A  }
0x26: {  	[smem:$0x3F9E] =	sst s1;
	(tag) =	ssettag s2;
	_ =	strace s9  }
0x27: {  	s1 =	sld [smem:$0x3FAE]  }
0x28: {  	s2 =	sld [smem:$0x3FAF]  }
0x29: {  	s4 =	sld [smem:$0x3FB1]  }
0x2a: {  	p0 =	seq.s32 s5, $0x0;
	s5 =	sld [smem:$0x3FB2]  }
0x2b: {  	s6 =	sld [smem:$0x3FB3]  }
0x2c: {  	s7 =	sld [smem:$0x3FB4]  }
0x2d: {  	s3 =	simm.s32 $0x108;
	s8 =	sld [smem:$0x3FB5]  }
0x2e: {  	s3 =	simm.s32 @!p0 $0x1082;
	s9 =	sld [smem:$0x3FB6]  }
0x2f: {  	lr =	sadd.s32 s0, s3;
	s0 =	sld [smem:$0x3FAD]  }
0x30: {  	s3 =	sld [smem:$0x3FB0]  }
0x31: {  	[smem:$0x3FB9] =	sst s10  }
0x32: {  	s10 =	sld [smem:$0x3FB7];
	_ =	sdelay $0x3  }
0x33: {  	p0 =	seq.s32 s10, $0x1;
	s10 =	sld [smem:$0x3FB9];
	_ =	sdelay $0x3  }
0x34: {  	[smem:$0x3FB9] =	sst s10  }
0x35: {  	s10 =	sld [smem:$0x3FB8];
	_ =	sdelay $0x3  }
0x36: {  	p1 =	seq.s32 s10, $0x1;
	s10 =	sld [smem:$0x3FB9];
	_ =	sdelay $0x3  }
0x37: {  	[smem:$0x3FB9] =	sst s10  }
0x38: {  	s10 =	sld [smem:$0x3FBA]  }
0x39: {  	_ = 	snop;
	(pc) =	sbr.ind lr, $3  }
0x3a: {  	_ = 	snop  }
0x3b: {  	_ = 	snop  }
0x3c: {  	p2 =	seq.s32 s10, $0x1;
	s10 =	sld [smem:$0x3FB9]  }
0x3d: {  	_ =	shalt  }
0x3e: {  	_ =	shalt  }
0x3f: {  	_ =	shalt  }
0x40: {  	_ =	shalt  }
0x41: {  	_ =	shalt  }
0x42: {  	_ =	shalt  }
0x43: {  	_ =	shalt  }
0x44: {  	_ =	shalt  }
0x45: {  	_ =	shalt  }
0x46: {  	_ =	shalt  }
0x47: {  	_ =	shalt  }
0x48: {  	_ =	shalt  }
0x49: {  	_ =	shalt  }
0x4a: {  	_ =	shalt  }
0x4b: {  	_ =	shalt  }
0x4c: {  	_ =	shalt  }
0x4d: {  	_ =	shalt  }
0x4e: {  	_ =	shalt  }
0x4f: {  	_ =	shalt  }
0x50: {  	_ =	shalt  }
0x51: {  	_ =	shalt  }
0x52: {  	_ =	shalt  }
0x53: {  	_ =	shalt  }
0x54: {  	_ =	shalt  }
0x55: {  	_ =	shalt  }
0x56: {  	_ =	shalt  }
0x57: {  	_ =	shalt  }
0x58: {  	_ =	shalt  }
0x59: {  	_ =	shalt  }
0x5a: {  	_ =	shalt  }
0x5b: {  	_ =	shalt  }
0x5c: {  	_ =	shalt  }
0x5d: {  	_ =	shalt  }
0x5e: {  	_ =	shalt  }
0x5f: {  	_ =	shalt  }
0x60: {  	_ =	shalt  }
0x61: {  	_ =	shalt  }
0x62: {  	_ =	shalt  }
0x63: {  	_ =	shalt  }
0x64: {  	_ =	shalt  }
0x65: {  	_ =	shalt  }
0x66: {  	_ =	shalt  }
0x67: {  	_ =	shalt  }
0x68: {  	_ =	shalt  }
0x69: {  	_ =	shalt  }
0x6a: {  	_ =	shalt  }
0x6b: {  	_ =	shalt  }
0x6c: {  	_ =	shalt  }
0x6d: {  	_ =	shalt  }
0x6e: {  	_ =	shalt  }
0x6f: {  	_ =	shalt  }
0x70: {  	_ =	shalt  }
0x71: {  	_ =	shalt  }
0x72: {  	_ =	shalt  }
0x73: {  	_ =	shalt  }
0x74: {  	_ =	shalt  }
0x75: {  	_ =	shalt  }
0x76: {  	_ =	shalt  }
0x77: {  	_ =	shalt  }
0x78: {  	_ =	shalt  }
0x79: {  	_ =	shalt  }
0x7a: {  	_ =	shalt  }
0x7b: {  	_ =	shalt  }
0x7c: {  	_ =	shalt  }
0x7d: {  	_ =	shalt  }
0x7e: {  	_ =	shalt  }
0x7f: {  	_ =	shalt  }
0x80: {  	_ =	shalt  }
0x81: {  	_ =	shalt  }
0x82: {  	_ =	shalt  }
0x83: {  	_ =	shalt  }
0x84: {  	_ =	shalt  }
0x85: {  	_ =	shalt  }
0x86: {  	_ =	shalt  }
0x87: {  	_ =	shalt  }
.Lfunc_end0:
.L_simem_size_0:
called_computation_lowered:
.L_overlay_start_0:
0x88: {  	s2 =	sld [smem:$0x3FD9]  }
0x89: {  	s3 =	sld [smem:$0x3FFE];
	_ =	sdelay $0x1  }
0x8a: {  	s1 =	srdreg.scid  }
0x8b: {  	s0 =	sand.u32 $0x1, s1  }
0x8c: {  	s17 =	sshll.u32 s0, $0xA;
	s2 =	sadd.s32 s3, s2  }
0x8d: {  	s2 =	sadd.s32 s2, s17  }
0x8e: {  	[smem:$0x3FC5] =	sst s2  }
0x8f: {  	_ = 	snop  }
0x90: {  	s2 =	sld [smem:$0x3FC8];
	(tm) =	ssettm $0x1  }
0x91: {  	s18 =	sld [smem:$0x3FFB];
	_ =	sdelay $0x3  }
0x92: {  	_ =	strace s18  }
0x93: {  	s3 =	sld [smem:$0x3FFC];
	_ =	sdelay $0x3  }
0x94: {  	_ =	strace s3  }
0x95: {  	s3 =	sld [smem:$0x3FFD];
	_ =	sdelay $0x3  }
0x96: {  	_ =	strace s3  }
0x97: {  	_ =	strace $0x8FFFFFFF  }
0x98: {  	s19 =	sld [smem:$0x3FDB];
	_ =	sdelay $0x1  }
0x99: {  	s4 =	simm.s32 $_scs_section_size  }
0x9a: {  	s5 =	simm.s32 $_size__tile_overlayer_lowered;
	s6 =	simm.s32 $_tile_overlayer_lowered  }
0x9b: {  	s22 =	simm.s32 $0x1BFF;
	s21 =	sshll.u32 s6, $0x1;
	s3 =	sadd.s32 s4, s19  }
0x9c: {  	s7 =	simm.s32 $0x0;
	s20 =	sshll.u32 s5, $0x1;
	s5 =	sadd.s32 s21, s3  }
0x9d: {  	[timem:s7], [sflag:s22] =	dma.local [hbm:s5], s20  }
0x9e: {  	_ =	swait.ge [sflag:s22], s20  }
0x9f: {  	s4 =	ssub.s32 $0x0, s20;
	[sflag:s22] =	ssyncset.done $0x0  }
0xa0: {  	[sflag:s22] =	ssyncadd.s32 s4;
	_ =	sdelay $0x1  }
0xa1: {  	s23 =	simm.s32 $0x1B8B  }
0xa2: {  	_ =	swait.ge [sflag:s23], $0x1  }
0xa3: {  	[sflag:s23] =	ssyncset.done $0x0  }
0xa4: {  	s25 =	simm.s32 $0x1B8E;
	s24 =	sld [smem:$0x3FFE];
	[sflag:s23] =	ssyncadd.s32 $0xFFFFFFFF  }
0xa5: {  	s26 =	simm.s32 $execute0_lowered;
	[smem:$0x3FD2] =	sst s25  }
0xa6: {  	s5 =	sshll.u32 s26, $0x1;
	_ =	strace $0x80000046;
	[dreg:$0x1] =	wrdreg $0xFFFFFFFF  }
0xa7: {  	s28 =	simm.s32 $_size_execute0_lowered;
	s3 =	sadd.s32 s3, s5;
	[dreg:$0x0] =	wrdreg $0x0  }
0xa8: {  	s5 =	sshll.u32 s28, $0x1;
	[dreg:$0x2] =	wrdreg s3  }
0xa9: {  	[dreg:$0x3] =	wrdreg s5  }
0xaa: {  	[dreg:$0x4] =	wrdreg $0xC0  }
0xab: {  	_ =	task [dreg:s7], $0x5FFFF  }
0xac: {  	[dreg:$0x1] =	wrdreg $0xFFFFFFFF  }
0xad: {  	[dreg:$0x0] =	wrdreg $0x60  }
0xae: {  	[dreg:$0x2] =	wrdreg s2  }
0xaf: {  	[dreg:$0x3] =	wrdreg s24  }
0xb0: {  	[dreg:$0x4] =	wrdreg $0x9  }
0xb1: {  	_ =	task.clear_ibuf [dreg:s7], $0x5FFFF;
	_ =	strace $0x90000046  }
0xb2: {  	s29 =	simm.s32 $0x9;
	_ =	strace $0x80000048  }
0xb3: {  	_ =	swait.ge [sflag:s29], $0x1  }
0xb4: {  	[sflag:s29] =	ssyncadd.s32 $0xFFFFFFFF  }
0xb5: {  	_ =	strace $0x90000048  }
0xb6: {  	_ =	sfence  }
0xb7: {  	s30 =	sld [smem:$0x0];
	_ =	sdelay $0x2  }
0xb8: {  	s31 =	sshll.u32 s1, $0xD;
	s1 =	sshrl.u32 s1, $0x2  }
0xb9: {  	s3 =	sand.u32 $0x4000, s31;
	s1 =	sadd.s32 s1, s30  }
0xba: {  	s0 =	sor.u32 s3, s0;
	s1 =	sshll.u32 s1, $0x11  }
0xbb: {  	s0 =	sor.u32 s1, s0  }
0xbc: {  	s0 =	sadd.s32 $0x8F2B, s0  }
0xbd: {  	[sflag:s0] =	ssyncadd.remote.s32 $0x1  }
0xbe: {  	_ =	sfence.sel $0xFFFF  }
0xbf: {  	[dreg:$0x0] =	wrdreg $0xFFFFFFFF;
	(pc) =	sbr.abs _section_cstart, $3  }
0xc0: {  	[dreg:$0x1] =	wrdreg $0xFFFFFFFF  }
0xc1: {  	_ =	task.clear_ibuf [dreg:s7], $0x2FFFF;
	_ =	strace $0x9FFFFFFF  }
0xc2: {  	(tm) =	ssettm $0x7FFFFFFF  }
0xc3: {  	_ =	shalt  }
tec
execute0_lowered:
.L_overlay_start_1:
0x0: {  	(tag) =	ssettag $0x1  }
0x1: {  	s0 =	srdreg.scid  }
0x2: {  	s2 =	rddreg [dreg:$0x0];
	s3 =	stileid.u32  }
0x3: {  	s1 =	rddreg [dreg:$0x1];
	s8 =	simm.s32 $0x2;
	s0 =	sand.u32 $0x1, s0  }
0x4: {  	s4 =	sshll.u32 s3, $0x7;
	s3 =	simm.s32 $0x0;
	s5 =	sshll.u32 s0, $0x6  }
0x5: {  	s29 =	simm.s32 $0x200;
	[smem:$0x7FF] =	sst s3;
	s4 =	sor.u32 s5, s4  }
0x6: {  	s0 =	ssub.s32 $0x2, s0;
	_ =	strace $0x80000047;
	s5 =	smul.u32 $0x300, s4  }
0x7: {  	s30 =	sshrl.u32 s0, $0x1;
	s6 =	smul.u32 $0x1800, s4;
	s4 =	sadd.s32 s4, s1  }
0x8: {  	s1 =	sadd.s32 $0x4D200, s1;
	s0 =	ssub.s32 s0, s30;
	s4 =	sadd.s32 $0x4CA00, s4  }
0x9: {  	s7 =	sadd.s32 s1, s5;
	s26 =	sshrl.u32 s6, $0x3;
	[dreg:$0x3] =	wrdreg s4  }
0xa: {  	[dreg:$0x7] =	wrdreg s7;
	s28 =	sadd.s32 $0x3000, s7;
	s1 =	sadd.s32 s1, s26  }
0xb: {  	v2 =	vlaneseq.u32;
	s5 =	sadd.s32 $0x100, s2;
	[dreg:$0x4] =	wrdreg s28;
	s31 =	sadd.s32 $0x6000, s1  }
0xc: {  	vm0 =	vmmov $0xffff;
	v1 =	vshrl.u32 v2, $0x3;
	s6 =	sadd.s32 $0x200, s2;
	s1 =	sadd.s32 $0x9000, s1;
	[dreg:$0x5] =	wrdreg s31  }
0xd: {  	v0 =	vand.u32 $0x7, v2;
	v2 =	vor.u32 $0x8, v2;
	v1 =	vmul.u32 $0x8, v1;
	s4 =	simm.s32 $0x1;
	s7 =	smax.u32 s0, $0x1;
	[dreg:$0x6] =	wrdreg s1  }
.LBB2_1:
0xe: {  	s10 =	rddreg [dreg:$0x3]  }
0xf: {  	[tilespmem:s3], [sflag:$0x2] =	stream.linear.gather [hbm4b:s10+s3], $0x200, $0x38;
	[tilespmem:$0x18200] =	vst v63  }
0x10: {  	_ =	swait.ge [sflag:s8], $0x200  }
0x11: {  	[sflag:s8] =	ssyncset.done $0x0  }
0x12: {  	[sflag:s8] =	ssyncadd.s32 $0xFFFFFE00  }
0x13: {  	v3 =	vld [tilespmem:$0x0];
	_ =	sdelay $0x4  }
0x14: {  	v4 =	vshrl.u32 v3, $0x3  }
0x15: {  	v4 =	vmul.u32 $0x30, v4  }
0x16: {  	v3 =	vand.u32 $0x7, v3  }
0x17: {  	v3 =	vor.u32 v3, v4  }
0x18: {  	v4 =	vperm.xlane v3, v0;
	_ =	sdelay $0x1  }
0x19: {  	v4 =	vadd.s32 v1, v4;
	_ =	sdelay $0x3  }
0x1a: {  	v3 =	vperm.xlane v3, v2  }
0x1b: {  	[tilespmem:s29], [sflag:$0x1] =	stream.indirect_vreg.gather [hbm4b:s2+s3], $0x80, v4, vm0, $0xb8;
	[tilespmem:$0x18200] =	vst v63  }
0x1c: {  	s0 =	simm.s32 $0xA00;
	v3 =	vadd.s32 v1, v3  }
0x1d: {  	[tilespmem:s0], [sflag:$0x1] =	stream.indirect_vreg.gather [hbm4b:s5+s3], $0x80, v4, vm0, $0xb8;
	[tilespmem:$0x18200] =	vst v63  }
0x1e: {  	s18 =	simm.s32 $0x1200  }
0x1f: {  	[tilespmem:s18], [sflag:$0x1] =	stream.indirect_vreg.gather [hbm4b:s6+s3], $0x80, v4, vm0, $0xb8;
	[tilespmem:$0x18200] =	vst v63  }
0x20: {  	s19 =	simm.s32 $0x1A00  }
0x21: {  	[tilespmem:s19], [sflag:$0x1] =	stream.indirect_vreg.gather [hbm4b:s2+s3], $0x80, v3, vm0, $0xb8;
	[tilespmem:$0x18200] =	vst v63  }
0x22: {  	s20 =	simm.s32 $0x2200  }
0x23: {  	[tilespmem:s20], [sflag:$0x1] =	stream.indirect_vreg.gather [hbm4b:s5+s3], $0x80, v3, vm0, $0xb8;
	[tilespmem:$0x18200] =	vst v63  }
0x24: {  	s21 =	simm.s32 $0x2A00  }
0x25: {  	[tilespmem:s21], [sflag:$0x1] =	stream.indirect_vreg.gather [hbm4b:s6+s3], $0x80, v3, vm0, $0xb8;
	[tilespmem:$0x18200] =	vst v63  }
0x26: {  	v3 =	vld [tilespmem:$0x10];
	_ =	sdelay $0x4  }
0x27: {  	v33 =	vshrl.u32 v3, $0x3  }
0x28: {  	v4 =	vmul.u32 $0x30, v33  }
0x29: {  	v3 =	vand.u32 $0x7, v3  }
0x2a: {  	v3 =	vor.u32 v3, v4  }
0x2b: {  	v4 =	vperm.xlane v3, v0;
	_ =	sdelay $0x1  }
0x2c: {  	v4 =	vadd.s32 v1, v4;
	_ =	sdelay $0x3  }
0x2d: {  	s22 =	simm.s32 $0x3200;
	v3 =	vperm.xlane v3, v2  }
0x2e: {  	[tilespmem:s22], [sflag:$0x1] =	stream.indirect_vreg.gather [hbm4b:s2+s3], $0x80, v4, vm0, $0xb8;
	[tilespmem:$0x18200] =	vst v63  }
0x2f: {  	s23 =	simm.s32 $0x3A00;
	v3 =	vadd.s32 v1, v3  }
0x30: {  	[tilespmem:s23], [sflag:$0x1] =	stream.indirect_vreg.gather [hbm4b:s5+s3], $0x80, v4, vm0, $0xb8;
	[tilespmem:$0x18200] =	vst v63  }
0x31: {  	s24 =	simm.s32 $0x4200  }
0x32: {  	[tilespmem:s24], [sflag:$0x1] =	stream.indirect_vreg.gather [hbm4b:s6+s3], $0x80, v4, vm0, $0xb8;
	[tilespmem:$0x18200] =	vst v63  }
0x33: {  	s25 =	simm.s32 $0x4A00  }
0x34: {  	[tilespmem:s25], [sflag:$0x1] =	stream.indirect_vreg.gather [hbm4b:s2+s3], $0x80, v3, vm0, $0xb8;
	[tilespmem:$0x18200] =	vst v63  }
0x35: {  	s26 =	simm.s32 $0x5200  }
0x36: {  	[tilespmem:s26], [sflag:$0x1] =	stream.indirect_vreg.gather [hbm4b:s5+s3], $0x80, v3, vm0, $0xb8;
	[tilespmem:$0x18200] =	vst v63  }
0x37: {  	s28 =	simm.s32 $0x5A00  }
0x38: {  	[tilespmem:s28], [sflag:$0x1] =	stream.indirect_vreg.gather [hbm4b:s6+s3], $0x80, v3, vm0, $0xb8;
	[tilespmem:$0x18200] =	vst v63  }
0x39: {  	v3 =	vld [tilespmem:$0x20];
	_ =	sdelay $0x4  }
0x3a: {  	v34 =	vshrl.u32 v3, $0x3  }
0x3b: {  	v4 =	vmul.u32 $0x30, v34  }
0x3c: {  	v3 =	vand.u32 $0x7, v3  }
0x3d: {  	v3 =	vor.u32 v3, v4  }
0x3e: {  	v4 =	vperm.xlane v3, v0;
	_ =	sdelay $0x1  }
0x3f: {  	v4 =	vadd.s32 v1, v4;
	_ =	sdelay $0x3  }
0x40: {  	s30 =	simm.s32 $0x6200;
	v3 =	vperm.xlane v3, v2  }
0x41: {  	[tilespmem:s30], [sflag:$0x1] =	stream.indirect_vreg.gather [hbm4b:s2+s3], $0x80, v4, vm0, $0xb8;
	[tilespmem:$0x18200] =	vst v63  }
0x42: {  	s31 =	simm.s32 $0x6A00;
	v3 =	vadd.s32 v1, v3  }
0x43: {  	[tilespmem:s31], [sflag:$0x1] =	stream.indirect_vreg.gather [hbm4b:s5+s3], $0x80, v4, vm0, $0xb8;
	[tilespmem:$0x18200] =	vst v63  }
0x44: {  	s1 =	simm.s32 $0x7200  }
0x45: {  	[tilespmem:s1], [sflag:$0x1] =	stream.indirect_vreg.gather [hbm4b:s6+s3], $0x80, v4, vm0, $0xb8;
	[tilespmem:$0x18200] =	vst v63  }
0x46: {  	s9 =	simm.s32 $0x7A00  }
0x47: {  	[tilespmem:s9], [sflag:$0x1] =	stream.indirect_vreg.gather [hbm4b:s2+s3], $0x80, v3, vm0, $0xb8;
	[tilespmem:$0x18200] =	vst v63  }
0x48: {  	s10 =	simm.s32 $0x8200  }
0x49: {  	[tilespmem:s10], [sflag:$0x1] =	stream.indirect_vreg.gather [hbm4b:s5+s3], $0x80, v3, vm0, $0xb8;
	[tilespmem:$0x18200] =	vst v63  }
0x4a: {  	s11 =	simm.s32 $0x8A00  }
0x4b: {  	[tilespmem:s11], [sflag:$0x1] =	stream.indirect_vreg.gather [hbm4b:s6+s3], $0x80, v3, vm0, $0xb8;
	[tilespmem:$0x18200] =	vst v63  }
0x4c: {  	v3 =	vld [tilespmem:$0x30];
	_ =	sdelay $0x4  }
0x4d: {  	v35 =	vshrl.u32 v3, $0x3  }
0x4e: {  	v4 =	vmul.u32 $0x30, v35  }
0x4f: {  	v3 =	vand.u32 $0x7, v3  }
0x50: {  	v3 =	vor.u32 v3, v4  }
0x51: {  	v4 =	vperm.xlane v3, v0;
	_ =	sdelay $0x1  }
0x52: {  	v4 =	vadd.s32 v1, v4;
	_ =	sdelay $0x3  }
0x53: {  	s12 =	simm.s32 $0x9200;
	v3 =	vperm.xlane v3, v2  }
0x54: {  	[tilespmem:s12], [sflag:$0x1] =	stream.indirect_vreg.gather [hbm4b:s2+s3], $0x80, v4, vm0, $0xb8;
	[tilespmem:$0x18200] =	vst v63  }
0x55: {  	s15 =	simm.s32 $0x9A00;
	v3 =	vadd.s32 v1, v3  }
0x56: {  	[tilespmem:s15], [sflag:$0x1] =	stream.indirect_vreg.gather [hbm4b:s5+s3], $0x80, v4, vm0, $0xb8;
	[tilespmem:$0x18200] =	vst v63  }
0x57: {  	s16 =	simm.s32 $0xA200  }
0x58: {  	[tilespmem:s16], [sflag:$0x1] =	stream.indirect_vreg.gather [hbm4b:s6+s3], $0x80, v4, vm0, $0xb8;
	[tilespmem:$0x18200] =	vst v63  }
0x59: {  	s19 =	simm.s32 $0xAA00  }
0x5a: {  	[tilespmem:s19], [sflag:$0x1] =	stream.indirect_vreg.gather [hbm4b:s2+s3], $0x80, v3, vm0, $0xb8;
	[tilespmem:$0x18200] =	vst v63  }
0x5b: {  	s20 =	simm.s32 $0xB200  }
0x5c: {  	[tilespmem:s20], [sflag:$0x1] =	stream.indirect_vreg.gather [hbm4b:s5+s3], $0x80, v3, vm0, $0xb8;
	[tilespmem:$0x18200] =	vst v63  }
0x5d: {  	s23 =	simm.s32 $0xBA00  }
0x5e: {  	[tilespmem:s23], [sflag:$0x1] =	stream.indirect_vreg.gather [hbm4b:s6+s3], $0x80, v3, vm0, $0xb8;
	[tilespmem:$0x18200] =	vst v63  }
0x5f: {  	v3 =	vld [tilespmem:$0x40];
	_ =	sdelay $0x4  }
0x60: {  	v36 =	vshrl.u32 v3, $0x3  }
0x61: {  	v4 =	vmul.u32 $0x30, v36  }
0x62: {  	v3 =	vand.u32 $0x7, v3  }
0x63: {  	v3 =	vor.u32 v3, v4  }
0x64: {  	v4 =	vperm.xlane v3, v0;
	_ =	sdelay $0x1  }
0x65: {  	v4 =	vadd.s32 v1, v4;
	_ =	sdelay $0x3  }
0x66: {  	s24 =	simm.s32 $0xC200;
	v3 =	vperm.xlane v3, v2  }
0x67: {  	[tilespmem:s24], [sflag:$0x1] =	stream.indirect_vreg.gather [hbm4b:s2+s3], $0x80, v4, vm0, $0xb8;
	[tilespmem:$0x18200] =	vst v63  }
0x68: {  	s25 =	simm.s32 $0xCA00;
	v3 =	vadd.s32 v1, v3  }
0x69: {  	[tilespmem:s25], [sflag:$0x1] =	stream.indirect_vreg.gather [hbm4b:s5+s3], $0x80, v4, vm0, $0xb8;
	[tilespmem:$0x18200] =	vst v63  }
0x6a: {  	s26 =	simm.s32 $0xD200  }
0x6b: {  	[tilespmem:s26], [sflag:$0x1] =	stream.indirect_vreg.gather [hbm4b:s6+s3], $0x80, v4, vm0, $0xb8;
	[tilespmem:$0x18200] =	vst v63  }
0x6c: {  	s28 =	simm.s32 $0xDA00  }
0x6d: {  	[tilespmem:s28], [sflag:$0x1] =	stream.indirect_vreg.gather [hbm4b:s2+s3], $0x80, v3, vm0, $0xb8;
	[tilespmem:$0x18200] =	vst v63  }
0x6e: {  	s30 =	simm.s32 $0xE200  }
0x6f: {  	[tilespmem:s30], [sflag:$0x1] =	stream.indirect_vreg.gather [hbm4b:s5+s3], $0x80, v3, vm0, $0xb8;
	[tilespmem:$0x18200] =	vst v63  }
0x70: {  	s31 =	simm.s32 $0xEA00  }
0x71: {  	[tilespmem:s31], [sflag:$0x1] =	stream.indirect_vreg.gather [hbm4b:s6+s3], $0x80, v3, vm0, $0xb8;
	[tilespmem:$0x18200] =	vst v63  }
0x72: {  	v3 =	vld [tilespmem:$0x50];
	_ =	sdelay $0x4  }
0x73: {  	v37 =	vshrl.u32 v3, $0x3  }
0x74: {  	v4 =	vmul.u32 $0x30, v37  }
0x75: {  	v3 =	vand.u32 $0x7, v3  }
0x76: {  	v3 =	vor.u32 v3, v4  }
0x77: {  	v4 =	vperm.xlane v3, v0;
	_ =	sdelay $0x1  }
0x78: {  	v4 =	vadd.s32 v1, v4;
	_ =	sdelay $0x3  }
0x79: {  	s0 =	simm.s32 $0xF200;
	v3 =	vperm.xlane v3, v2  }
0x7a: {  	[tilespmem:s0], [sflag:$0x1] =	stream.indirect_vreg.gather [hbm4b:s2+s3], $0x80, v4, vm0, $0xb8;
	[tilespmem:$0x18200] =	vst v63  }
0x7b: {  	s1 =	simm.s32 $0xFA00;
	v3 =	vadd.s32 v1, v3  }
0x7c: {  	[tilespmem:s1], [sflag:$0x1] =	stream.indirect_vreg.gather [hbm4b:s5+s3], $0x80, v4, vm0, $0xb8;
	[tilespmem:$0x18200] =	vst v63  }
0x7d: {  	s9 =	simm.s32 $0x10200  }
0x7e: {  	[tilespmem:s9], [sflag:$0x1] =	stream.indirect_vreg.gather [hbm4b:s6+s3], $0x80, v4, vm0, $0xb8;
	[tilespmem:$0x18200] =	vst v63  }
0x7f: {  	s11 =	simm.s32 $0x10A00  }
0x80: {  	[tilespmem:s11], [sflag:$0x1] =	stream.indirect_vreg.gather [hbm4b:s2+s3], $0x80, v3, vm0, $0xb8;
	[tilespmem:$0x18200] =	vst v63  }
0x81: {  	s12 =	simm.s32 $0x11200  }
0x82: {  	[tilespmem:s12], [sflag:$0x1] =	stream.indirect_vreg.gather [hbm4b:s5+s3], $0x80, v3, vm0, $0xb8;
	[tilespmem:$0x18200] =	vst v63  }
0x83: {  	s15 =	simm.s32 $0x11A00  }
0x84: {  	[tilespmem:s15], [sflag:$0x1] =	stream.indirect_vreg.gather [hbm4b:s6+s3], $0x80, v3, vm0, $0xb8;
	[tilespmem:$0x18200] =	vst v63  }
0x85: {  	v3 =	vld [tilespmem:$0x60];
	_ =	sdelay $0x4  }
0x86: {  	v38 =	vshrl.u32 v3, $0x3  }
0x87: {  	v4 =	vmul.u32 $0x30, v38  }
0x88: {  	v3 =	vand.u32 $0x7, v3  }
0x89: {  	v3 =	vor.u32 v3, v4  }
0x8a: {  	v4 =	vperm.xlane v3, v0;
	_ =	sdelay $0x1  }
0x8b: {  	v4 =	vadd.s32 v1, v4;
	_ =	sdelay $0x3  }
0x8c: {  	s16 =	simm.s32 $0x12200;
	v3 =	vperm.xlane v3, v2  }
0x8d: {  	[tilespmem:s16], [sflag:$0x1] =	stream.indirect_vreg.gather [hbm4b:s2+s3], $0x80, v4, vm0, $0xb8;
	[tilespmem:$0x18200] =	vst v63  }
0x8e: {  	s19 =	simm.s32 $0x12A00;
	v3 =	vadd.s32 v1, v3  }
0x8f: {  	[tilespmem:s19], [sflag:$0x1] =	stream.indirect_vreg.gather [hbm4b:s5+s3], $0x80, v4, vm0, $0xb8;
	[tilespmem:$0x18200] =	vst v63  }
0x90: {  	s20 =	simm.s32 $0x13200  }
0x91: {  	[tilespmem:s20], [sflag:$0x1] =	stream.indirect_vreg.gather [hbm4b:s6+s3], $0x80, v4, vm0, $0xb8;
	[tilespmem:$0x18200] =	vst v63  }
0x92: {  	s31 =	simm.s32 $0x13A00  }
0x93: {  	[tilespmem:s31], [sflag:$0x1] =	stream.indirect_vreg.gather [hbm4b:s2+s3], $0x80, v3, vm0, $0xb8;
	[tilespmem:$0x18200] =	vst v63  }
0x94: {  	s0 =	simm.s32 $0x14200  }
0x95: {  	[tilespmem:s0], [sflag:$0x1] =	stream.indirect_vreg.gather [hbm4b:s5+s3], $0x80, v3, vm0, $0xb8;
	[tilespmem:$0x18200] =	vst v63  }
0x96: {  	s1 =	simm.s32 $0x14A00  }
0x97: {  	[tilespmem:s1], [sflag:$0x1] =	stream.indirect_vreg.gather [hbm4b:s6+s3], $0x80, v3, vm0, $0xb8;
	[tilespmem:$0x18200] =	vst v63  }
0x98: {  	v3 =	vld [tilespmem:$0x70];
	_ =	sdelay $0x4  }
0x99: {  	v39 =	vshrl.u32 v3, $0x3  }
0x9a: {  	v4 =	vmul.u32 $0x30, v39  }
0x9b: {  	v3 =	vand.u32 $0x7, v3  }
0x9c: {  	v3 =	vor.u32 v3, v4  }
0x9d: {  	v4 =	vperm.xlane v3, v0;
	_ =	sdelay $0x1  }
0x9e: {  	v4 =	vadd.s32 v1, v4;
	_ =	sdelay $0x3  }
0x9f: {  	s9 =	simm.s32 $0x15200;
	v3 =	vperm.xlane v3, v2  }
0xa0: {  	[tilespmem:s9], [sflag:$0x1] =	stream.indirect_vreg.gather [hbm4b:s2+s3], $0x80, v4, vm0, $0xb8;
	[tilespmem:$0x18200] =	vst v63  }
0xa1: {  	s11 =	simm.s32 $0x15A00;
	v3 =	vadd.s32 v1, v3  }
0xa2: {  	[tilespmem:s11], [sflag:$0x1] =	stream.indirect_vreg.gather [hbm4b:s5+s3], $0x80, v4, vm0, $0xb8;
	[tilespmem:$0x18200] =	vst v63  }
0xa3: {  	s12 =	simm.s32 $0x16200  }
0xa4: {  	[tilespmem:s12], [sflag:$0x1] =	stream.indirect_vreg.gather [hbm4b:s6+s3], $0x80, v4, vm0, $0xb8;
	[tilespmem:$0x18200] =	vst v63  }
0xa5: {  	s15 =	simm.s32 $0x16A00  }
0xa6: {  	[tilespmem:s15], [sflag:$0x1] =	stream.indirect_vreg.gather [hbm4b:s2+s3], $0x80, v3, vm0, $0xb8;
	[tilespmem:$0x18200] =	vst v63  }
0xa7: {  	s16 =	simm.s32 $0x17200  }
0xa8: {  	[tilespmem:s16], [sflag:$0x1] =	stream.indirect_vreg.gather [hbm4b:s5+s3], $0x80, v3, vm0, $0xb8;
	[tilespmem:$0x18200] =	vst v63  }
0xa9: {  	s19 =	simm.s32 $0x17A00  }
0xaa: {  	[tilespmem:s19], [sflag:$0x1] =	stream.indirect_vreg.gather [hbm4b:s6+s3], $0x80, v3, vm0, $0xb8;
	[tilespmem:$0x18200] =	vst v63  }
0xab: {  	_ =	swait.ge [sflag:s4], $0x18000  }
0xac: {  	[sflag:s4] =	ssyncset.done $0x0  }
0xad: {  	s20 =	rddreg [dreg:$0x7];
	[sflag:s4] =	ssyncadd.s32 $0xFFFE8000  }
0xae: {  	[hbm4b:s20+s3] =	stream.linear.scatter [tilespmem:s29], [sflag:$0x2], $0x18000, $0x38;
	[tilespmem:$0x18200] =	vst v63  }
0xaf: {  	_ =	swait.ge [sflag:s8], $0x18000  }
0xb0: {  	[sflag:s8] =	ssyncset.done $0x0  }
0xb1: {  	[sflag:s8] =	ssyncadd.s32 $0xFFFE8000  }
0xb2: {  	v3 =	vld [tilespmem:$0x80];
	_ =	sdelay $0x4  }
0xb3: {  	v40 =	vshrl.u32 v3, $0x3  }
0xb4: {  	v4 =	vmul.u32 $0x30, v40  }
0xb5: {  	v3 =	vand.u32 $0x7, v3  }
0xb6: {  	v3 =	vor.u32 v3, v4  }
0xb7: {  	v4 =	vperm.xlane v3, v0;
	_ =	sdelay $0x1  }
0xb8: {  	v4 =	vadd.s32 v1, v4;
	_ =	sdelay $0x3  }
0xb9: {  	v3 =	vperm.xlane v3, v2  }
0xba: {  	[tilespmem:s29], [sflag:$0x1] =	stream.indirect_vreg.gather [hbm4b:s2+s3], $0x80, v4, vm0, $0xb8;
	[tilespmem:$0x18200] =	vst v63  }
0xbb: {  	s1 =	simm.s32 $0xA00;
	v3 =	vadd.s32 v1, v3  }
0xbc: {  	[tilespmem:s1], [sflag:$0x1] =	stream.indirect_vreg.gather [hbm4b:s5+s3], $0x80, v4, vm0, $0xb8;
	[tilespmem:$0x18200] =	vst v63  }
0xbd: {  	s9 =	simm.s32 $0x1200  }
0xbe: {  	[tilespmem:s9], [sflag:$0x1] =	stream.indirect_vreg.gather [hbm4b:s6+s3], $0x80, v4, vm0, $0xb8;
	[tilespmem:$0x18200] =	vst v63  }
0xbf: {  	s11 =	simm.s32 $0x1A00  }
0xc0: {  	[tilespmem:s11], [sflag:$0x1] =	stream.indirect_vreg.gather [hbm4b:s2+s3], $0x80, v3, vm0, $0xb8;
	[tilespmem:$0x18200] =	vst v63  }
0xc1: {  	s12 =	simm.s32 $0x2200  }
0xc2: {  	[tilespmem:s12], [sflag:$0x1] =	stream.indirect_vreg.gather [hbm4b:s5+s3], $0x80, v3, vm0, $0xb8;
	[tilespmem:$0x18200] =	vst v63  }
0xc3: {  	s13 =	simm.s32 $0x2A00  }
0xc4: {  	[tilespmem:s13], [sflag:$0x1] =	stream.indirect_vreg.gather [hbm4b:s6+s3], $0x80, v3, vm0, $0xb8;
	[tilespmem:$0x18200] =	vst v63  }
0xc5: {  	v3 =	vld [tilespmem:$0x90];
	_ =	sdelay $0x4  }
0xc6: {  	v41 =	vshrl.u32 v3, $0x3  }
0xc7: {  	v4 =	vmul.u32 $0x30, v41  }
0xc8: {  	v3 =	vand.u32 $0x7, v3  }
0xc9: {  	v3 =	vor.u32 v3, v4  }
0xca: {  	v4 =	vperm.xlane v3, v0;
	_ =	sdelay $0x1  }
0xcb: {  	v4 =	vadd.s32 v1, v4;
	_ =	sdelay $0x3  }
0xcc: {  	s14 =	simm.s32 $0x3200;
	v3 =	vperm.xlane v3, v2  }
0xcd: {  	[tilespmem:s14], [sflag:$0x1] =	stream.indirect_vreg.gather [hbm4b:s2+s3], $0x80, v4, vm0, $0xb8;
	[tilespmem:$0x18200] =	vst v63  }
0xce: {  	s13 =	simm.s32 $0x3A00;
	v3 =	vadd.s32 v1, v3  }
0xcf: {  	[tilespmem:s13], [sflag:$0x1] =	stream.indirect_vreg.gather [hbm4b:s5+s3], $0x80, v4, vm0, $0xb8;
	[tilespmem:$0x18200] =	vst v63  }
0xd0: {  	s14 =	simm.s32 $0x4200  }
0xd1: {  	[tilespmem:s14], [sflag:$0x1] =	stream.indirect_vreg.gather [hbm4b:s6+s3], $0x80, v4, vm0, $0xb8;
	[tilespmem:$0x18200] =	vst v63  }
0xd2: {  	s15 =	simm.s32 $0x4A00  }
0xd3: {  	[tilespmem:s15], [sflag:$0x1] =	stream.indirect_vreg.gather [hbm4b:s2+s3], $0x80, v3, vm0, $0xb8;
	[tilespmem:$0x18200] =	vst v63  }
0xd4: {  	s16 =	simm.s32 $0x5200  }
0xd5: {  	[tilespmem:s16], [sflag:$0x1] =	stream.indirect_vreg.gather [hbm4b:s5+s3], $0x80, v3, vm0, $0xb8;
	[tilespmem:$0x18200] =	vst v63  }
0xd6: {  	s17 =	simm.s32 $0x5A00  }
0xd7: {  	[tilespmem:s17], [sflag:$0x1] =	stream.indirect_vreg.gather [hbm4b:s6+s3], $0x80, v3, vm0, $0xb8;
	[tilespmem:$0x18200] =	vst v63  }
0xd8: {  	v3 =	vld [tilespmem:$0xA0];
	_ =	sdelay $0x4  }
0xd9: {  	v42 =	vshrl.u32 v3, $0x3  }
0xda: {  	v4 =	vmul.u32 $0x30, v42  }
0xdb: {  	v3 =	vand.u32 $0x7, v3  }
0xdc: {  	v3 =	vor.u32 v3, v4  }
0xdd: {  	v4 =	vperm.xlane v3, v0;
	_ =	sdelay $0x1  }
0xde: {  	v4 =	vadd.s32 v1, v4;
	_ =	sdelay $0x3  }
0xdf: {  	s18 =	simm.s32 $0x6200;
	v3 =	vperm.xlane v3, v2  }
0xe0: {  	[tilespmem:s18], [sflag:$0x1] =	stream.indirect_vreg.gather [hbm4b:s2+s3], $0x80, v4, vm0, $0xb8;
	[tilespmem:$0x18200] =	vst v63  }
0xe1: {  	s17 =	simm.s32 $0x6A00;
	v3 =	vadd.s32 v1, v3  }
0xe2: {  	[tilespmem:s17], [sflag:$0x1] =	stream.indirect_vreg.gather [hbm4b:s5+s3], $0x80, v4, vm0, $0xb8;
	[tilespmem:$0x18200] =	vst v63  }
0xe3: {  	s18 =	simm.s32 $0x7200  }
0xe4: {  	[tilespmem:s18], [sflag:$0x1] =	stream.indirect_vreg.gather [hbm4b:s6+s3], $0x80, v4, vm0, $0xb8;
	[tilespmem:$0x18200] =	vst v63  }
0xe5: {  	s19 =	simm.s32 $0x7A00  }
0xe6: {  	[tilespmem:s19], [sflag:$0x1] =	stream.indirect_vreg.gather [hbm4b:s2+s3], $0x80, v3, vm0, $0xb8;
	[tilespmem:$0x18200] =	vst v63  }
0xe7: {  	s20 =	simm.s32 $0x8200  }
0xe8: {  	[tilespmem:s20], [sflag:$0x1] =	stream.indirect_vreg.gather [hbm4b:s5+s3], $0x80, v3, vm0, $0xb8;
	[tilespmem:$0x18200] =	vst v63  }
0xe9: {  	s21 =	simm.s32 $0x8A00  }
0xea: {  	[tilespmem:s21], [sflag:$0x1] =	stream.indirect_vreg.gather [hbm4b:s6+s3], $0x80, v3, vm0, $0xb8;
	[tilespmem:$0x18200] =	vst v63  }
0xeb: {  	v3 =	vld [tilespmem:$0xB0];
	_ =	sdelay $0x4  }
0xec: {  	v43 =	vshrl.u32 v3, $0x3  }
0xed: {  	v4 =	vmul.u32 $0x30, v43  }
0xee: {  	v3 =	vand.u32 $0x7, v3  }
0xef: {  	v3 =	vor.u32 v3, v4  }
0xf0: {  	v4 =	vperm.xlane v3, v0;
	_ =	sdelay $0x1  }
0xf1: {  	v4 =	vadd.s32 v1, v4;
	_ =	sdelay $0x3  }
0xf2: {  	s22 =	simm.s32 $0x9200;
	v3 =	vperm.xlane v3, v2  }
0xf3: {  	[tilespmem:s22], [sflag:$0x1] =	stream.indirect_vreg.gather [hbm4b:s2+s3], $0x80, v4, vm0, $0xb8;
	[tilespmem:$0x18200] =	vst v63  }
0xf4: {  	s21 =	simm.s32 $0x9A00;
	v3 =	vadd.s32 v1, v3  }
0xf5: {  	[tilespmem:s21], [sflag:$0x1] =	stream.indirect_vreg.gather [hbm4b:s5+s3], $0x80, v4, vm0, $0xb8;
	[tilespmem:$0x18200] =	vst v63  }
0xf6: {  	s22 =	simm.s32 $0xA200  }
0xf7: {  	[tilespmem:s22], [sflag:$0x1] =	stream.indirect_vreg.gather [hbm4b:s6+s3], $0x80, v4, vm0, $0xb8;
	[tilespmem:$0x18200] =	vst v63  }
0xf8: {  	s0 =	simm.s32 $0xAA00  }
0xf9: {  	[tilespmem:s0], [sflag:$0x1] =	stream.indirect_vreg.gather [hbm4b:s2+s3], $0x80, v3, vm0, $0xb8;
	[tilespmem:$0x18200] =	vst v63  }
0xfa: {  	s10 =	simm.s32 $0xB200  }
0xfb: {  	[tilespmem:s10], [sflag:$0x1] =	stream.indirect_vreg.gather [hbm4b:s5+s3], $0x80, v3, vm0, $0xb8;
	[tilespmem:$0x18200] =	vst v63  }
0xfc: {  	s23 =	simm.s32 $0xBA00  }
0xfd: {  	[tilespmem:s23], [sflag:$0x1] =	stream.indirect_vreg.gather [hbm4b:s6+s3], $0x80, v3, vm0, $0xb8;
	[tilespmem:$0x18200] =	vst v63  }
0xfe: {  	v3 =	vld [tilespmem:$0xC0];
	_ =	sdelay $0x4  }
0xff: {  	v44 =	vshrl.u32 v3, $0x3  }
0x100: {  	v4 =	vmul.u32 $0x30, v44  }
0x101: {  	v3 =	vand.u32 $0x7, v3  }
0x102: {  	v3 =	vor.u32 v3, v4  }
0x103: {  	v4 =	vperm.xlane v3, v0;
	_ =	sdelay $0x1  }
0x104: {  	v4 =	vadd.s32 v1, v4;
	_ =	sdelay $0x3  }
0x105: {  	s24 =	simm.s32 $0xC200;
	v3 =	vperm.xlane v3, v2  }
0x106: {  	[tilespmem:s24], [sflag:$0x1] =	stream.indirect_vreg.gather [hbm4b:s2+s3], $0x80, v4, vm0, $0xb8;
	[tilespmem:$0x18200] =	vst v63  }
0x107: {  	s23 =	simm.s32 $0xCA00;
	v3 =	vadd.s32 v1, v3  }
0x108: {  	[tilespmem:s23], [sflag:$0x1] =	stream.indirect_vreg.gather [hbm4b:s5+s3], $0x80, v4, vm0, $0xb8;
	[tilespmem:$0x18200] =	vst v63  }
0x109: {  	s24 =	simm.s32 $0xD200  }
0x10a: {  	[tilespmem:s24], [sflag:$0x1] =	stream.indirect_vreg.gather [hbm4b:s6+s3], $0x80, v4, vm0, $0xb8;
	[tilespmem:$0x18200] =	vst v63  }
0x10b: {  	s10 =	simm.s32 $0xDA00  }
0x10c: {  	[tilespmem:s10], [sflag:$0x1] =	stream.indirect_vreg.gather [hbm4b:s2+s3], $0x80, v3, vm0, $0xb8;
	[tilespmem:$0x18200] =	vst v63  }
0x10d: {  	s10 =	simm.s32 $0xE200  }
0x10e: {  	[tilespmem:s10], [sflag:$0x1] =	stream.indirect_vreg.gather [hbm4b:s5+s3], $0x80, v3, vm0, $0xb8;
	[tilespmem:$0x18200] =	vst v63  }
0x10f: {  	s25 =	simm.s32 $0xEA00  }
0x110: {  	[tilespmem:s25], [sflag:$0x1] =	stream.indirect_vreg.gather [hbm4b:s6+s3], $0x80, v3, vm0, $0xb8;
	[tilespmem:$0x18200] =	vst v63  }
0x111: {  	v3 =	vld [tilespmem:$0xD0];
	_ =	sdelay $0x4  }
0x112: {  	v45 =	vshrl.u32 v3, $0x3  }
0x113: {  	v4 =	vmul.u32 $0x30, v45  }
0x114: {  	v3 =	vand.u32 $0x7, v3  }
0x115: {  	v3 =	vor.u32 v3, v4  }
0x116: {  	v4 =	vperm.xlane v3, v0;
	_ =	sdelay $0x1  }
0x117: {  	v4 =	vadd.s32 v1, v4;
	_ =	sdelay $0x3  }
0x118: {  	s26 =	simm.s32 $0xF200;
	v3 =	vperm.xlane v3, v2  }
0x119: {  	[tilespmem:s26], [sflag:$0x1] =	stream.indirect_vreg.gather [hbm4b:s2+s3], $0x80, v4, vm0, $0xb8;
	[tilespmem:$0x18200] =	vst v63  }
0x11a: {  	s25 =	simm.s32 $0xFA00;
	v3 =	vadd.s32 v1, v3  }
0x11b: {  	[tilespmem:s25], [sflag:$0x1] =	stream.indirect_vreg.gather [hbm4b:s5+s3], $0x80, v4, vm0, $0xb8;
	[tilespmem:$0x18200] =	vst v63  }
0x11c: {  	s26 =	simm.s32 $0x10200  }
0x11d: {  	[tilespmem:s26], [sflag:$0x1] =	stream.indirect_vreg.gather [hbm4b:s6+s3], $0x80, v4, vm0, $0xb8;
	[tilespmem:$0x18200] =	vst v63  }
0x11e: {  	s25 =	simm.s32 $0x10A00  }
0x11f: {  	[tilespmem:s25], [sflag:$0x1] =	stream.indirect_vreg.gather [hbm4b:s2+s3], $0x80, v3, vm0, $0xb8;
	[tilespmem:$0x18200] =	vst v63  }
0x120: {  	s26 =	simm.s32 $0x11200  }
0x121: {  	[tilespmem:s26], [sflag:$0x1] =	stream.indirect_vreg.gather [hbm4b:s5+s3], $0x80, v3, vm0, $0xb8;
	[tilespmem:$0x18200] =	vst v63  }
0x122: {  	s28 =	simm.s32 $0x11A00  }
0x123: {  	[tilespmem:s28], [sflag:$0x1] =	stream.indirect_vreg.gather [hbm4b:s6+s3], $0x80, v3, vm0, $0xb8;
	[tilespmem:$0x18200] =	vst v63  }
0x124: {  	v3 =	vld [tilespmem:$0xE0];
	_ =	sdelay $0x4  }
0x125: {  	v46 =	vshrl.u32 v3, $0x3  }
0x126: {  	v4 =	vmul.u32 $0x30, v46  }
0x127: {  	v3 =	vand.u32 $0x7, v3  }
0x128: {  	v3 =	vor.u32 v3, v4  }
0x129: {  	v4 =	vperm.xlane v3, v0;
	_ =	sdelay $0x1  }
0x12a: {  	v4 =	vadd.s32 v1, v4;
	_ =	sdelay $0x3  }
0x12b: {  	s30 =	simm.s32 $0x12200;
	v3 =	vperm.xlane v3, v2  }
0x12c: {  	[tilespmem:s30], [sflag:$0x1] =	stream.indirect_vreg.gather [hbm4b:s2+s3], $0x80, v4, vm0, $0xb8;
	[tilespmem:$0x18200] =	vst v63  }
0x12d: {  	s25 =	simm.s32 $0x12A00;
	v3 =	vadd.s32 v1, v3  }
0x12e: {  	[tilespmem:s25], [sflag:$0x1] =	stream.indirect_vreg.gather [hbm4b:s5+s3], $0x80, v4, vm0, $0xb8;
	[tilespmem:$0x18200] =	vst v63  }
0x12f: {  	s26 =	simm.s32 $0x13200  }
0x130: {  	[tilespmem:s26], [sflag:$0x1] =	stream.indirect_vreg.gather [hbm4b:s6+s3], $0x80, v4, vm0, $0xb8;
	[tilespmem:$0x18200] =	vst v63  }
0x131: {  	s28 =	simm.s32 $0x13A00  }
0x132: {  	[tilespmem:s28], [sflag:$0x1] =	stream.indirect_vreg.gather [hbm4b:s2+s3], $0x80, v3, vm0, $0xb8;
	[tilespmem:$0x18200] =	vst v63  }
0x133: {  	s30 =	simm.s32 $0x14200  }
0x134: {  	[tilespmem:s30], [sflag:$0x1] =	stream.indirect_vreg.gather [hbm4b:s5+s3], $0x80, v3, vm0, $0xb8;
	[tilespmem:$0x18200] =	vst v63  }
0x135: {  	s31 =	simm.s32 $0x14A00  }
0x136: {  	[tilespmem:s31], [sflag:$0x1] =	stream.indirect_vreg.gather [hbm4b:s6+s3], $0x80, v3, vm0, $0xb8;
	[tilespmem:$0x18200] =	vst v63  }
0x137: {  	v3 =	vld [tilespmem:$0xF0];
	_ =	sdelay $0x4  }
0x138: {  	v47 =	vshrl.u32 v3, $0x3  }
0x139: {  	v4 =	vmul.u32 $0x30, v47  }
0x13a: {  	v3 =	vand.u32 $0x7, v3  }
0x13b: {  	v3 =	vor.u32 v3, v4  }
0x13c: {  	v4 =	vperm.xlane v3, v0;
	_ =	sdelay $0x1  }
0x13d: {  	v4 =	vadd.s32 v1, v4;
	_ =	sdelay $0x3  }
0x13e: {  	s25 =	simm.s32 $0x15200;
	v3 =	vperm.xlane v3, v2  }
0x13f: {  	[tilespmem:s25], [sflag:$0x1] =	stream.indirect_vreg.gather [hbm4b:s2+s3], $0x80, v4, vm0, $0xb8;
	[tilespmem:$0x18200] =	vst v63  }
0x140: {  	s26 =	simm.s32 $0x15A00;
	v3 =	vadd.s32 v1, v3  }
0x141: {  	[tilespmem:s26], [sflag:$0x1] =	stream.indirect_vreg.gather [hbm4b:s5+s3], $0x80, v4, vm0, $0xb8;
	[tilespmem:$0x18200] =	vst v63  }
0x142: {  	s28 =	simm.s32 $0x16200  }
0x143: {  	[tilespmem:s28], [sflag:$0x1] =	stream.indirect_vreg.gather [hbm4b:s6+s3], $0x80, v4, vm0, $0xb8;
	[tilespmem:$0x18200] =	vst v63  }
0x144: {  	s30 =	simm.s32 $0x16A00  }
0x145: {  	[tilespmem:s30], [sflag:$0x1] =	stream.indirect_vreg.gather [hbm4b:s2+s3], $0x80, v3, vm0, $0xb8;
	[tilespmem:$0x18200] =	vst v63  }
0x146: {  	s31 =	simm.s32 $0x17200  }
0x147: {  	[tilespmem:s31], [sflag:$0x1] =	stream.indirect_vreg.gather [hbm4b:s5+s3], $0x80, v3, vm0, $0xb8;
	[tilespmem:$0x18200] =	vst v63  }
0x148: {  	s25 =	simm.s32 $0x17A00  }
0x149: {  	[tilespmem:s25], [sflag:$0x1] =	stream.indirect_vreg.gather [hbm4b:s6+s3], $0x80, v3, vm0, $0xb8;
	[tilespmem:$0x18200] =	vst v63  }
0x14a: {  	_ =	swait.ge [sflag:s4], $0x18000  }
0x14b: {  	[sflag:s4] =	ssyncset.done $0x0  }
0x14c: {  	s26 =	rddreg [dreg:$0x4];
	[sflag:s4] =	ssyncadd.s32 $0xFFFE8000  }
0x14d: {  	[hbm4b:s26+s3] =	stream.linear.scatter [tilespmem:s29], [sflag:$0x2], $0x18000, $0x38;
	[tilespmem:$0x18200] =	vst v63  }
0x14e: {  	_ =	swait.ge [sflag:s8], $0x18000  }
0x14f: {  	[sflag:s8] =	ssyncset.done $0x0  }
0x150: {  	[sflag:s8] =	ssyncadd.s32 $0xFFFE8000  }
0x151: {  	v3 =	vld [tilespmem:$0x100];
	_ =	sdelay $0x4  }
0x152: {  	v48 =	vshrl.u32 v3, $0x3  }
0x153: {  	v4 =	vmul.u32 $0x30, v48  }
0x154: {  	v3 =	vand.u32 $0x7, v3  }
0x155: {  	v3 =	vor.u32 v3, v4  }
0x156: {  	v4 =	vperm.xlane v3, v0;
	_ =	sdelay $0x1  }
0x157: {  	v4 =	vadd.s32 v1, v4;
	_ =	sdelay $0x3  }
0x158: {  	v3 =	vperm.xlane v3, v2  }
0x159: {  	[tilespmem:s29], [sflag:$0x1] =	stream.indirect_vreg.gather [hbm4b:s2+s3], $0x80, v4, vm0, $0xb8;
	[tilespmem:$0x18200] =	vst v63  }
0x15a: {  	v3 =	vadd.s32 v1, v3  }
0x15b: {  	[tilespmem:s1], [sflag:$0x1] =	stream.indirect_vreg.gather [hbm4b:s5+s3], $0x80, v4, vm0, $0xb8;
	[tilespmem:$0x18200] =	vst v63  }
0x15c: {  	_ = 	snop  }
0x15d: {  	[tilespmem:s9], [sflag:$0x1] =	stream.indirect_vreg.gather [hbm4b:s6+s3], $0x80, v4, vm0, $0xb8;
	[tilespmem:$0x18200] =	vst v63  }
0x15e: {  	_ = 	snop  }
0x15f: {  	[tilespmem:s11], [sflag:$0x1] =	stream.indirect_vreg.gather [hbm4b:s2+s3], $0x80, v3, vm0, $0xb8;
	[tilespmem:$0x18200] =	vst v63  }
0x160: {  	_ = 	snop  }
0x161: {  	[tilespmem:s12], [sflag:$0x1] =	stream.indirect_vreg.gather [hbm4b:s5+s3], $0x80, v3, vm0, $0xb8;
	[tilespmem:$0x18200] =	vst v63  }
0x162: {  	s28 =	simm.s32 $0x2A00  }
0x163: {  	[tilespmem:s28], [sflag:$0x1] =	stream.indirect_vreg.gather [hbm4b:s6+s3], $0x80, v3, vm0, $0xb8;
	[tilespmem:$0x18200] =	vst v63  }
0x164: {  	v3 =	vld [tilespmem:$0x110];
	_ =	sdelay $0x4  }
0x165: {  	v49 =	vshrl.u32 v3, $0x3  }
0x166: {  	v4 =	vmul.u32 $0x30, v49  }
0x167: {  	v3 =	vand.u32 $0x7, v3  }
0x168: {  	v3 =	vor.u32 v3, v4  }
0x169: {  	v4 =	vperm.xlane v3, v0;
	_ =	sdelay $0x1  }
0x16a: {  	v4 =	vadd.s32 v1, v4;
	_ =	sdelay $0x3  }
0x16b: {  	s30 =	simm.s32 $0x3200;
	v3 =	vperm.xlane v3, v2  }
0x16c: {  	[tilespmem:s30], [sflag:$0x1] =	stream.indirect_vreg.gather [hbm4b:s2+s3], $0x80, v4, vm0, $0xb8;
	[tilespmem:$0x18200] =	vst v63  }
0x16d: {  	v3 =	vadd.s32 v1, v3  }
0x16e: {  	[tilespmem:s13], [sflag:$0x1] =	stream.indirect_vreg.gather [hbm4b:s5+s3], $0x80, v4, vm0, $0xb8;
	[tilespmem:$0x18200] =	vst v63  }
0x16f: {  	_ = 	snop  }
0x170: {  	[tilespmem:s14], [sflag:$0x1] =	stream.indirect_vreg.gather [hbm4b:s6+s3], $0x80, v4, vm0, $0xb8;
	[tilespmem:$0x18200] =	vst v63  }
0x171: {  	_ = 	snop  }
0x172: {  	[tilespmem:s15], [sflag:$0x1] =	stream.indirect_vreg.gather [hbm4b:s2+s3], $0x80, v3, vm0, $0xb8;
	[tilespmem:$0x18200] =	vst v63  }
0x173: {  	_ = 	snop  }
0x174: {  	[tilespmem:s16], [sflag:$0x1] =	stream.indirect_vreg.gather [hbm4b:s5+s3], $0x80, v3, vm0, $0xb8;
	[tilespmem:$0x18200] =	vst v63  }
0x175: {  	s31 =	simm.s32 $0x5A00  }
0x176: {  	[tilespmem:s31], [sflag:$0x1] =	stream.indirect_vreg.gather [hbm4b:s6+s3], $0x80, v3, vm0, $0xb8;
	[tilespmem:$0x18200] =	vst v63  }
0x177: {  	v3 =	vld [tilespmem:$0x120];
	_ =	sdelay $0x4  }
0x178: {  	v50 =	vshrl.u32 v3, $0x3  }
0x179: {  	v4 =	vmul.u32 $0x30, v50  }
0x17a: {  	v3 =	vand.u32 $0x7, v3  }
0x17b: {  	v3 =	vor.u32 v3, v4  }
0x17c: {  	v4 =	vperm.xlane v3, v0;
	_ =	sdelay $0x1  }
0x17d: {  	v4 =	vadd.s32 v1, v4;
	_ =	sdelay $0x3  }
0x17e: {  	s25 =	simm.s32 $0x6200;
	v3 =	vperm.xlane v3, v2  }
0x17f: {  	[tilespmem:s25], [sflag:$0x1] =	stream.indirect_vreg.gather [hbm4b:s2+s3], $0x80, v4, vm0, $0xb8;
	[tilespmem:$0x18200] =	vst v63  }
0x180: {  	v3 =	vadd.s32 v1, v3  }
0x181: {  	[tilespmem:s17], [sflag:$0x1] =	stream.indirect_vreg.gather [hbm4b:s5+s3], $0x80, v4, vm0, $0xb8;
	[tilespmem:$0x18200] =	vst v63  }
0x182: {  	_ = 	snop  }
0x183: {  	[tilespmem:s18], [sflag:$0x1] =	stream.indirect_vreg.gather [hbm4b:s6+s3], $0x80, v4, vm0, $0xb8;
	[tilespmem:$0x18200] =	vst v63  }
0x184: {  	_ = 	snop  }
0x185: {  	[tilespmem:s19], [sflag:$0x1] =	stream.indirect_vreg.gather [hbm4b:s2+s3], $0x80, v3, vm0, $0xb8;
	[tilespmem:$0x18200] =	vst v63  }
0x186: {  	_ = 	snop  }
0x187: {  	[tilespmem:s20], [sflag:$0x1] =	stream.indirect_vreg.gather [hbm4b:s5+s3], $0x80, v3, vm0, $0xb8;
	[tilespmem:$0x18200] =	vst v63  }
0x188: {  	s26 =	simm.s32 $0x8A00  }
0x189: {  	[tilespmem:s26], [sflag:$0x1] =	stream.indirect_vreg.gather [hbm4b:s6+s3], $0x80, v3, vm0, $0xb8;
	[tilespmem:$0x18200] =	vst v63  }
0x18a: {  	v3 =	vld [tilespmem:$0x130];
	_ =	sdelay $0x4  }
0x18b: {  	v51 =	vshrl.u32 v3, $0x3  }
0x18c: {  	v4 =	vmul.u32 $0x30, v51  }
0x18d: {  	v3 =	vand.u32 $0x7, v3  }
0x18e: {  	v3 =	vor.u32 v3, v4  }
0x18f: {  	v4 =	vperm.xlane v3, v0;
	_ =	sdelay $0x1  }
0x190: {  	v4 =	vadd.s32 v1, v4;
	_ =	sdelay $0x3  }
0x191: {  	s28 =	simm.s32 $0x9200;
	v3 =	vperm.xlane v3, v2  }
0x192: {  	[tilespmem:s28], [sflag:$0x1] =	stream.indirect_vreg.gather [hbm4b:s2+s3], $0x80, v4, vm0, $0xb8;
	[tilespmem:$0x18200] =	vst v63  }
0x193: {  	v3 =	vadd.s32 v1, v3  }
0x194: {  	[tilespmem:s21], [sflag:$0x1] =	stream.indirect_vreg.gather [hbm4b:s5+s3], $0x80, v4, vm0, $0xb8;
	[tilespmem:$0x18200] =	vst v63  }
0x195: {  	_ = 	snop  }
0x196: {  	[tilespmem:s22], [sflag:$0x1] =	stream.indirect_vreg.gather [hbm4b:s6+s3], $0x80, v4, vm0, $0xb8;
	[tilespmem:$0x18200] =	vst v63  }
0x197: {  	_ = 	snop  }
0x198: {  	[tilespmem:s0], [sflag:$0x1] =	stream.indirect_vreg.gather [hbm4b:s2+s3], $0x80, v3, vm0, $0xb8;
	[tilespmem:$0x18200] =	vst v63  }
0x199: {  	s30 =	simm.s32 $0xB200  }
0x19a: {  	[tilespmem:s30], [sflag:$0x1] =	stream.indirect_vreg.gather [hbm4b:s5+s3], $0x80, v3, vm0, $0xb8;
	[tilespmem:$0x18200] =	vst v63  }
0x19b: {  	s31 =	simm.s32 $0xBA00  }
0x19c: {  	[tilespmem:s31], [sflag:$0x1] =	stream.indirect_vreg.gather [hbm4b:s6+s3], $0x80, v3, vm0, $0xb8;
	[tilespmem:$0x18200] =	vst v63  }
0x19d: {  	v3 =	vld [tilespmem:$0x140];
	_ =	sdelay $0x4  }
0x19e: {  	v52 =	vshrl.u32 v3, $0x3  }
0x19f: {  	v4 =	vmul.u32 $0x30, v52  }
0x1a0: {  	v3 =	vand.u32 $0x7, v3  }
0x1a1: {  	v3 =	vor.u32 v3, v4  }
0x1a2: {  	v4 =	vperm.xlane v3, v0;
	_ =	sdelay $0x1  }
0x1a3: {  	v4 =	vadd.s32 v1, v4;
	_ =	sdelay $0x3  }
0x1a4: {  	s25 =	simm.s32 $0xC200;
	v3 =	vperm.xlane v3, v2  }
0x1a5: {  	[tilespmem:s25], [sflag:$0x1] =	stream.indirect_vreg.gather [hbm4b:s2+s3], $0x80, v4, vm0, $0xb8;
	[tilespmem:$0x18200] =	vst v63  }
0x1a6: {  	s23 =	simm.s32 $0xCA00;
	v3 =	vadd.s32 v1, v3  }
0x1a7: {  	[tilespmem:s23], [sflag:$0x1] =	stream.indirect_vreg.gather [hbm4b:s5+s3], $0x80, v4, vm0, $0xb8;
	[tilespmem:$0x18200] =	vst v63  }
0x1a8: {  	s24 =	simm.s32 $0xD200  }
0x1a9: {  	[tilespmem:s24], [sflag:$0x1] =	stream.indirect_vreg.gather [hbm4b:s6+s3], $0x80, v4, vm0, $0xb8;
	[tilespmem:$0x18200] =	vst v63  }
0x1aa: {  	s26 =	simm.s32 $0xDA00  }
0x1ab: {  	[tilespmem:s26], [sflag:$0x1] =	stream.indirect_vreg.gather [hbm4b:s2+s3], $0x80, v3, vm0, $0xb8;
	[tilespmem:$0x18200] =	vst v63  }
0x1ac: {  	s28 =	simm.s32 $0xE200  }
0x1ad: {  	[tilespmem:s28], [sflag:$0x1] =	stream.indirect_vreg.gather [hbm4b:s5+s3], $0x80, v3, vm0, $0xb8;
	[tilespmem:$0x18200] =	vst v63  }
0x1ae: {  	s30 =	simm.s32 $0xEA00  }
0x1af: {  	[tilespmem:s30], [sflag:$0x1] =	stream.indirect_vreg.gather [hbm4b:s6+s3], $0x80, v3, vm0, $0xb8;
	[tilespmem:$0x18200] =	vst v63  }
0x1b0: {  	v3 =	vld [tilespmem:$0x150];
	_ =	sdelay $0x4  }
0x1b1: {  	v53 =	vshrl.u32 v3, $0x3  }
0x1b2: {  	v4 =	vmul.u32 $0x30, v53  }
0x1b3: {  	v3 =	vand.u32 $0x7, v3  }
0x1b4: {  	v3 =	vor.u32 v3, v4  }
0x1b5: {  	v4 =	vperm.xlane v3, v0;
	_ =	sdelay $0x1  }
0x1b6: {  	v4 =	vadd.s32 v1, v4;
	_ =	sdelay $0x3  }
0x1b7: {  	s31 =	simm.s32 $0xF200;
	v3 =	vperm.xlane v3, v2  }
0x1b8: {  	[tilespmem:s31], [sflag:$0x1] =	stream.indirect_vreg.gather [hbm4b:s2+s3], $0x80, v4, vm0, $0xb8;
	[tilespmem:$0x18200] =	vst v63  }
0x1b9: {  	s28 =	simm.s32 $0xFA00;
	v3 =	vadd.s32 v1, v3  }
0x1ba: {  	[tilespmem:s28], [sflag:$0x1] =	stream.indirect_vreg.gather [hbm4b:s5+s3], $0x80, v4, vm0, $0xb8;
	[tilespmem:$0x18200] =	vst v63  }
0x1bb: {  	s30 =	simm.s32 $0x10200  }
0x1bc: {  	[tilespmem:s30], [sflag:$0x1] =	stream.indirect_vreg.gather [hbm4b:s6+s3], $0x80, v4, vm0, $0xb8;
	[tilespmem:$0x18200] =	vst v63  }
0x1bd: {  	s31 =	simm.s32 $0x10A00  }
0x1be: {  	[tilespmem:s31], [sflag:$0x1] =	stream.indirect_vreg.gather [hbm4b:s2+s3], $0x80, v3, vm0, $0xb8;
	[tilespmem:$0x18200] =	vst v63  }
0x1bf: {  	s10 =	simm.s32 $0x11200  }
0x1c0: {  	[tilespmem:s10], [sflag:$0x1] =	stream.indirect_vreg.gather [hbm4b:s5+s3], $0x80, v3, vm0, $0xb8;
	[tilespmem:$0x18200] =	vst v63  }
0x1c1: {  	s10 =	simm.s32 $0x11A00  }
0x1c2: {  	[tilespmem:s10], [sflag:$0x1] =	stream.indirect_vreg.gather [hbm4b:s6+s3], $0x80, v3, vm0, $0xb8;
	[tilespmem:$0x18200] =	vst v63  }
0x1c3: {  	v3 =	vld [tilespmem:$0x160];
	_ =	sdelay $0x4  }
0x1c4: {  	v54 =	vshrl.u32 v3, $0x3  }
0x1c5: {  	v4 =	vmul.u32 $0x30, v54  }
0x1c6: {  	v3 =	vand.u32 $0x7, v3  }
0x1c7: {  	v3 =	vor.u32 v3, v4  }
0x1c8: {  	v4 =	vperm.xlane v3, v0;
	_ =	sdelay $0x1  }
0x1c9: {  	v4 =	vadd.s32 v1, v4;
	_ =	sdelay $0x3  }
0x1ca: {  	s10 =	simm.s32 $0x12200;
	v3 =	vperm.xlane v3, v2  }
0x1cb: {  	[tilespmem:s10], [sflag:$0x1] =	stream.indirect_vreg.gather [hbm4b:s2+s3], $0x80, v4, vm0, $0xb8;
	[tilespmem:$0x18200] =	vst v63  }
0x1cc: {  	v3 =	vadd.s32 v1, v3;
	s10 =	simm.s32 $0x12A00  }
0x1cd: {  	[tilespmem:s10], [sflag:$0x1] =	stream.indirect_vreg.gather [hbm4b:s5+s3], $0x80, v4, vm0, $0xb8;
	[tilespmem:$0x18200] =	vst v63  }
0x1ce: {  	s10 =	simm.s32 $0x13200  }
0x1cf: {  	[tilespmem:s10], [sflag:$0x1] =	stream.indirect_vreg.gather [hbm4b:s6+s3], $0x80, v4, vm0, $0xb8;
	[tilespmem:$0x18200] =	vst v63  }
0x1d0: {  	s10 =	simm.s32 $0x13A00  }
0x1d1: {  	[tilespmem:s10], [sflag:$0x1] =	stream.indirect_vreg.gather [hbm4b:s2+s3], $0x80, v3, vm0, $0xb8;
	[tilespmem:$0x18200] =	vst v63  }
0x1d2: {  	s10 =	simm.s32 $0x14200  }
0x1d3: {  	[tilespmem:s10], [sflag:$0x1] =	stream.indirect_vreg.gather [hbm4b:s5+s3], $0x80, v3, vm0, $0xb8;
	[tilespmem:$0x18200] =	vst v63  }
0x1d4: {  	s10 =	simm.s32 $0x14A00  }
0x1d5: {  	[tilespmem:s10], [sflag:$0x1] =	stream.indirect_vreg.gather [hbm4b:s6+s3], $0x80, v3, vm0, $0xb8;
	[tilespmem:$0x18200] =	vst v63  }
0x1d6: {  	v3 =	vld [tilespmem:$0x170];
	_ =	sdelay $0x4  }
0x1d7: {  	v55 =	vshrl.u32 v3, $0x3  }
0x1d8: {  	v4 =	vmul.u32 $0x30, v55  }
0x1d9: {  	v3 =	vand.u32 $0x7, v3  }
0x1da: {  	v3 =	vor.u32 v3, v4  }
0x1db: {  	v4 =	vperm.xlane v3, v0;
	_ =	sdelay $0x1  }
0x1dc: {  	v4 =	vadd.s32 v1, v4;
	_ =	sdelay $0x3  }
0x1dd: {  	s10 =	simm.s32 $0x15200;
	v3 =	vperm.xlane v3, v2  }
0x1de: {  	[tilespmem:s10], [sflag:$0x1] =	stream.indirect_vreg.gather [hbm4b:s2+s3], $0x80, v4, vm0, $0xb8;
	[tilespmem:$0x18200] =	vst v63  }
0x1df: {  	v3 =	vadd.s32 v1, v3;
	s10 =	simm.s32 $0x15A00  }
0x1e0: {  	[tilespmem:s10], [sflag:$0x1] =	stream.indirect_vreg.gather [hbm4b:s5+s3], $0x80, v4, vm0, $0xb8;
	[tilespmem:$0x18200] =	vst v63  }
0x1e1: {  	s10 =	simm.s32 $0x16200  }
0x1e2: {  	[tilespmem:s10], [sflag:$0x1] =	stream.indirect_vreg.gather [hbm4b:s6+s3], $0x80, v4, vm0, $0xb8;
	[tilespmem:$0x18200] =	vst v63  }
0x1e3: {  	s10 =	simm.s32 $0x16A00  }
0x1e4: {  	[tilespmem:s10], [sflag:$0x1] =	stream.indirect_vreg.gather [hbm4b:s2+s3], $0x80, v3, vm0, $0xb8;
	[tilespmem:$0x18200] =	vst v63  }
0x1e5: {  	s10 =	simm.s32 $0x17200  }
0x1e6: {  	[tilespmem:s10], [sflag:$0x1] =	stream.indirect_vreg.gather [hbm4b:s5+s3], $0x80, v3, vm0, $0xb8;
	[tilespmem:$0x18200] =	vst v63  }
0x1e7: {  	s10 =	simm.s32 $0x17A00  }
0x1e8: {  	[tilespmem:s10], [sflag:$0x1] =	stream.indirect_vreg.gather [hbm4b:s6+s3], $0x80, v3, vm0, $0xb8;
	[tilespmem:$0x18200] =	vst v63  }
0x1e9: {  	_ =	swait.ge [sflag:s4], $0x18000  }
0x1ea: {  	[sflag:s4] =	ssyncset.done $0x0  }
0x1eb: {  	s10 =	rddreg [dreg:$0x5];
	[sflag:s4] =	ssyncadd.s32 $0xFFFE8000  }
0x1ec: {  	[hbm4b:s10+s3] =	stream.linear.scatter [tilespmem:s29], [sflag:$0x2], $0x18000, $0x38;
	[tilespmem:$0x18200] =	vst v63  }
0x1ed: {  	_ =	swait.ge [sflag:s8], $0x18000  }
0x1ee: {  	[sflag:s8] =	ssyncset.done $0x0  }
0x1ef: {  	[sflag:s8] =	ssyncadd.s32 $0xFFFE8000  }
0x1f0: {  	v3 =	vld [tilespmem:$0x180];
	_ =	sdelay $0x4  }
0x1f1: {  	v56 =	vshrl.u32 v3, $0x3  }
0x1f2: {  	v4 =	vmul.u32 $0x30, v56  }
0x1f3: {  	v3 =	vand.u32 $0x7, v3  }
0x1f4: {  	v3 =	vor.u32 v3, v4  }
0x1f5: {  	v4 =	vperm.xlane v3, v0;
	_ =	sdelay $0x1  }
0x1f6: {  	v4 =	vadd.s32 v1, v4;
	_ =	sdelay $0x3  }
0x1f7: {  	v3 =	vperm.xlane v3, v2  }
0x1f8: {  	[tilespmem:s29], [sflag:$0x1] =	stream.indirect_vreg.gather [hbm4b:s2+s3], $0x80, v4, vm0, $0xb8;
	[tilespmem:$0x18200] =	vst v63  }
0x1f9: {  	s1 =	simm.s32 $0xA00;
	v3 =	vadd.s32 v1, v3  }
0x1fa: {  	[tilespmem:s1], [sflag:$0x1] =	stream.indirect_vreg.gather [hbm4b:s5+s3], $0x80, v4, vm0, $0xb8;
	[tilespmem:$0x18200] =	vst v63  }
0x1fb: {  	s9 =	simm.s32 $0x1200  }
0x1fc: {  	[tilespmem:s9], [sflag:$0x1] =	stream.indirect_vreg.gather [hbm4b:s6+s3], $0x80, v4, vm0, $0xb8;
	[tilespmem:$0x18200] =	vst v63  }
0x1fd: {  	s11 =	simm.s32 $0x1A00  }
0x1fe: {  	[tilespmem:s11], [sflag:$0x1] =	stream.indirect_vreg.gather [hbm4b:s2+s3], $0x80, v3, vm0, $0xb8;
	[tilespmem:$0x18200] =	vst v63  }
0x1ff: {  	s12 =	simm.s32 $0x2200  }
0x200: {  	[tilespmem:s12], [sflag:$0x1] =	stream.indirect_vreg.gather [hbm4b:s5+s3], $0x80, v3, vm0, $0xb8;
	[tilespmem:$0x18200] =	vst v63  }
0x201: {  	s11 =	simm.s32 $0x2A00  }
0x202: {  	[tilespmem:s11], [sflag:$0x1] =	stream.indirect_vreg.gather [hbm4b:s6+s3], $0x80, v3, vm0, $0xb8;
	[tilespmem:$0x18200] =	vst v63  }
0x203: {  	v3 =	vld [tilespmem:$0x190];
	_ =	sdelay $0x4  }
0x204: {  	v57 =	vshrl.u32 v3, $0x3  }
0x205: {  	v4 =	vmul.u32 $0x30, v57  }
0x206: {  	v3 =	vand.u32 $0x7, v3  }
0x207: {  	v3 =	vor.u32 v3, v4  }
0x208: {  	v4 =	vperm.xlane v3, v0;
	_ =	sdelay $0x1  }
0x209: {  	v4 =	vadd.s32 v1, v4;
	_ =	sdelay $0x3  }
0x20a: {  	s12 =	simm.s32 $0x3200;
	v3 =	vperm.xlane v3, v2  }
0x20b: {  	[tilespmem:s12], [sflag:$0x1] =	stream.indirect_vreg.gather [hbm4b:s2+s3], $0x80, v4, vm0, $0xb8;
	[tilespmem:$0x18200] =	vst v63  }
0x20c: {  	s13 =	simm.s32 $0x3A00;
	v3 =	vadd.s32 v1, v3  }
0x20d: {  	[tilespmem:s13], [sflag:$0x1] =	stream.indirect_vreg.gather [hbm4b:s5+s3], $0x80, v4, vm0, $0xb8;
	[tilespmem:$0x18200] =	vst v63  }
0x20e: {  	s14 =	simm.s32 $0x4200  }
0x20f: {  	[tilespmem:s14], [sflag:$0x1] =	stream.indirect_vreg.gather [hbm4b:s6+s3], $0x80, v4, vm0, $0xb8;
	[tilespmem:$0x18200] =	vst v63  }
0x210: {  	s15 =	simm.s32 $0x4A00  }
0x211: {  	[tilespmem:s15], [sflag:$0x1] =	stream.indirect_vreg.gather [hbm4b:s2+s3], $0x80, v3, vm0, $0xb8;
	[tilespmem:$0x18200] =	vst v63  }
0x212: {  	s16 =	simm.s32 $0x5200  }
0x213: {  	[tilespmem:s16], [sflag:$0x1] =	stream.indirect_vreg.gather [hbm4b:s5+s3], $0x80, v3, vm0, $0xb8;
	[tilespmem:$0x18200] =	vst v63  }
0x214: {  	s15 =	simm.s32 $0x5A00  }
0x215: {  	[tilespmem:s15], [sflag:$0x1] =	stream.indirect_vreg.gather [hbm4b:s6+s3], $0x80, v3, vm0, $0xb8;
	[tilespmem:$0x18200] =	vst v63  }
0x216: {  	v3 =	vld [tilespmem:$0x1A0];
	_ =	sdelay $0x4  }
0x217: {  	v58 =	vshrl.u32 v3, $0x3  }
0x218: {  	v4 =	vmul.u32 $0x30, v58  }
0x219: {  	v3 =	vand.u32 $0x7, v3  }
0x21a: {  	v3 =	vor.u32 v3, v4  }
0x21b: {  	v4 =	vperm.xlane v3, v0;
	_ =	sdelay $0x1  }
0x21c: {  	v4 =	vadd.s32 v1, v4;
	_ =	sdelay $0x3  }
0x21d: {  	s16 =	simm.s32 $0x6200;
	v3 =	vperm.xlane v3, v2  }
0x21e: {  	[tilespmem:s16], [sflag:$0x1] =	stream.indirect_vreg.gather [hbm4b:s2+s3], $0x80, v4, vm0, $0xb8;
	[tilespmem:$0x18200] =	vst v63  }
0x21f: {  	s17 =	simm.s32 $0x6A00;
	v3 =	vadd.s32 v1, v3  }
0x220: {  	[tilespmem:s17], [sflag:$0x1] =	stream.indirect_vreg.gather [hbm4b:s5+s3], $0x80, v4, vm0, $0xb8;
	[tilespmem:$0x18200] =	vst v63  }
0x221: {  	s18 =	simm.s32 $0x7200  }
0x222: {  	[tilespmem:s18], [sflag:$0x1] =	stream.indirect_vreg.gather [hbm4b:s6+s3], $0x80, v4, vm0, $0xb8;
	[tilespmem:$0x18200] =	vst v63  }
0x223: {  	s19 =	simm.s32 $0x7A00  }
0x224: {  	[tilespmem:s19], [sflag:$0x1] =	stream.indirect_vreg.gather [hbm4b:s2+s3], $0x80, v3, vm0, $0xb8;
	[tilespmem:$0x18200] =	vst v63  }
0x225: {  	s20 =	simm.s32 $0x8200  }
0x226: {  	[tilespmem:s20], [sflag:$0x1] =	stream.indirect_vreg.gather [hbm4b:s5+s3], $0x80, v3, vm0, $0xb8;
	[tilespmem:$0x18200] =	vst v63  }
0x227: {  	s20 =	simm.s32 $0x8A00  }
0x228: {  	[tilespmem:s20], [sflag:$0x1] =	stream.indirect_vreg.gather [hbm4b:s6+s3], $0x80, v3, vm0, $0xb8;
	[tilespmem:$0x18200] =	vst v63  }
0x229: {  	v3 =	vld [tilespmem:$0x1B0];
	_ =	sdelay $0x4  }
0x22a: {  	v59 =	vshrl.u32 v3, $0x3  }
0x22b: {  	v4 =	vmul.u32 $0x30, v59  }
0x22c: {  	v3 =	vand.u32 $0x7, v3  }
0x22d: {  	v3 =	vor.u32 v3, v4  }
0x22e: {  	v4 =	vperm.xlane v3, v0;
	_ =	sdelay $0x1  }
0x22f: {  	v4 =	vadd.s32 v1, v4;
	_ =	sdelay $0x3  }
0x230: {  	s9 =	simm.s32 $0x9200;
	v3 =	vperm.xlane v3, v2  }
0x231: {  	[tilespmem:s9], [sflag:$0x1] =	stream.indirect_vreg.gather [hbm4b:s2+s3], $0x80, v4, vm0, $0xb8;
	[tilespmem:$0x18200] =	vst v63  }
0x232: {  	s21 =	simm.s32 $0x9A00;
	v3 =	vadd.s32 v1, v3  }
0x233: {  	[tilespmem:s21], [sflag:$0x1] =	stream.indirect_vreg.gather [hbm4b:s5+s3], $0x80, v4, vm0, $0xb8;
	[tilespmem:$0x18200] =	vst v63  }
0x234: {  	s22 =	simm.s32 $0xA200  }
0x235: {  	[tilespmem:s22], [sflag:$0x1] =	stream.indirect_vreg.gather [hbm4b:s6+s3], $0x80, v4, vm0, $0xb8;
	[tilespmem:$0x18200] =	vst v63  }
0x236: {  	s0 =	simm.s32 $0xAA00  }
0x237: {  	[tilespmem:s0], [sflag:$0x1] =	stream.indirect_vreg.gather [hbm4b:s2+s3], $0x80, v3, vm0, $0xb8;
	[tilespmem:$0x18200] =	vst v63  }
0x238: {  	s10 =	simm.s32 $0xB200  }
0x239: {  	[tilespmem:s10], [sflag:$0x1] =	stream.indirect_vreg.gather [hbm4b:s5+s3], $0x80, v3, vm0, $0xb8;
	[tilespmem:$0x18200] =	vst v63  }
0x23a: {  	s11 =	simm.s32 $0xBA00  }
0x23b: {  	[tilespmem:s11], [sflag:$0x1] =	stream.indirect_vreg.gather [hbm4b:s6+s3], $0x80, v3, vm0, $0xb8;
	[tilespmem:$0x18200] =	vst v63  }
0x23c: {  	v3 =	vld [tilespmem:$0x1C0];
	_ =	sdelay $0x4  }
0x23d: {  	v60 =	vshrl.u32 v3, $0x3  }
0x23e: {  	v4 =	vmul.u32 $0x30, v60  }
0x23f: {  	v3 =	vand.u32 $0x7, v3  }
0x240: {  	v3 =	vor.u32 v3, v4  }
0x241: {  	v4 =	vperm.xlane v3, v0;
	_ =	sdelay $0x1  }
0x242: {  	v4 =	vadd.s32 v1, v4;
	_ =	sdelay $0x3  }
0x243: {  	s12 =	simm.s32 $0xC200;
	v3 =	vperm.xlane v3, v2  }
0x244: {  	[tilespmem:s12], [sflag:$0x1] =	stream.indirect_vreg.gather [hbm4b:s2+s3], $0x80, v4, vm0, $0xb8;
	[tilespmem:$0x18200] =	vst v63  }
0x245: {  	s23 =	simm.s32 $0xCA00;
	v3 =	vadd.s32 v1, v3  }
0x246: {  	[tilespmem:s23], [sflag:$0x1] =	stream.indirect_vreg.gather [hbm4b:s5+s3], $0x80, v4, vm0, $0xb8;
	[tilespmem:$0x18200] =	vst v63  }
0x247: {  	s24 =	simm.s32 $0xD200  }
0x248: {  	[tilespmem:s24], [sflag:$0x1] =	stream.indirect_vreg.gather [hbm4b:s6+s3], $0x80, v4, vm0, $0xb8;
	[tilespmem:$0x18200] =	vst v63  }
0x249: {  	s25 =	simm.s32 $0xDA00  }
0x24a: {  	[tilespmem:s25], [sflag:$0x1] =	stream.indirect_vreg.gather [hbm4b:s2+s3], $0x80, v3, vm0, $0xb8;
	[tilespmem:$0x18200] =	vst v63  }
0x24b: {  	s26 =	simm.s32 $0xE200  }
0x24c: {  	[tilespmem:s26], [sflag:$0x1] =	stream.indirect_vreg.gather [hbm4b:s5+s3], $0x80, v3, vm0, $0xb8;
	[tilespmem:$0x18200] =	vst v63  }
0x24d: {  	s13 =	simm.s32 $0xEA00  }
0x24e: {  	[tilespmem:s13], [sflag:$0x1] =	stream.indirect_vreg.gather [hbm4b:s6+s3], $0x80, v3, vm0, $0xb8;
	[tilespmem:$0x18200] =	vst v63  }
0x24f: {  	v3 =	vld [tilespmem:$0x1D0];
	_ =	sdelay $0x4  }
0x250: {  	v61 =	vshrl.u32 v3, $0x3  }
0x251: {  	v4 =	vmul.u32 $0x30, v61  }
0x252: {  	v3 =	vand.u32 $0x7, v3  }
0x253: {  	v3 =	vor.u32 v3, v4  }
0x254: {  	v4 =	vperm.xlane v3, v0;
	_ =	sdelay $0x1  }
0x255: {  	v4 =	vadd.s32 v1, v4;
	_ =	sdelay $0x3  }
0x256: {  	s14 =	simm.s32 $0xF200;
	v3 =	vperm.xlane v3, v2  }
0x257: {  	[tilespmem:s14], [sflag:$0x1] =	stream.indirect_vreg.gather [hbm4b:s2+s3], $0x80, v4, vm0, $0xb8;
	[tilespmem:$0x18200] =	vst v63  }
0x258: {  	s28 =	simm.s32 $0xFA00;
	v3 =	vadd.s32 v1, v3  }
0x259: {  	[tilespmem:s28], [sflag:$0x1] =	stream.indirect_vreg.gather [hbm4b:s5+s3], $0x80, v4, vm0, $0xb8;
	[tilespmem:$0x18200] =	vst v63  }
0x25a: {  	s30 =	simm.s32 $0x10200  }
0x25b: {  	[tilespmem:s30], [sflag:$0x1] =	stream.indirect_vreg.gather [hbm4b:s6+s3], $0x80, v4, vm0, $0xb8;
	[tilespmem:$0x18200] =	vst v63  }
0x25c: {  	s31 =	simm.s32 $0x10A00  }
0x25d: {  	[tilespmem:s31], [sflag:$0x1] =	stream.indirect_vreg.gather [hbm4b:s2+s3], $0x80, v3, vm0, $0xb8;
	[tilespmem:$0x18200] =	vst v63  }
0x25e: {  	s15 =	simm.s32 $0x11200  }
0x25f: {  	[tilespmem:s15], [sflag:$0x1] =	stream.indirect_vreg.gather [hbm4b:s5+s3], $0x80, v3, vm0, $0xb8;
	[tilespmem:$0x18200] =	vst v63  }
0x260: {  	s16 =	simm.s32 $0x11A00  }
0x261: {  	[tilespmem:s16], [sflag:$0x1] =	stream.indirect_vreg.gather [hbm4b:s6+s3], $0x80, v3, vm0, $0xb8;
	[tilespmem:$0x18200] =	vst v63  }
0x262: {  	v3 =	vld [tilespmem:$0x1E0];
	_ =	sdelay $0x4  }
0x263: {  	v62 =	vshrl.u32 v3, $0x3  }
0x264: {  	v4 =	vmul.u32 $0x30, v62  }
0x265: {  	v3 =	vand.u32 $0x7, v3  }
0x266: {  	v3 =	vor.u32 v3, v4  }
0x267: {  	v4 =	vperm.xlane v3, v0;
	_ =	sdelay $0x1  }
0x268: {  	v4 =	vadd.s32 v1, v4;
	_ =	sdelay $0x3  }
0x269: {  	s17 =	simm.s32 $0x12200;
	v3 =	vperm.xlane v3, v2  }
0x26a: {  	[tilespmem:s17], [sflag:$0x1] =	stream.indirect_vreg.gather [hbm4b:s2+s3], $0x80, v4, vm0, $0xb8;
	[tilespmem:$0x18200] =	vst v63  }
0x26b: {  	s18 =	simm.s32 $0x12A00;
	v3 =	vadd.s32 v1, v3  }
0x26c: {  	[tilespmem:s18], [sflag:$0x1] =	stream.indirect_vreg.gather [hbm4b:s5+s3], $0x80, v4, vm0, $0xb8;
	[tilespmem:$0x18200] =	vst v63  }
0x26d: {  	s19 =	simm.s32 $0x13200  }
0x26e: {  	[tilespmem:s19], [sflag:$0x1] =	stream.indirect_vreg.gather [hbm4b:s6+s3], $0x80, v4, vm0, $0xb8;
	[tilespmem:$0x18200] =	vst v63  }
0x26f: {  	s20 =	simm.s32 $0x13A00  }
0x270: {  	[tilespmem:s20], [sflag:$0x1] =	stream.indirect_vreg.gather [hbm4b:s2+s3], $0x80, v3, vm0, $0xb8;
	[tilespmem:$0x18200] =	vst v63  }
0x271: {  	s21 =	simm.s32 $0x14200  }
0x272: {  	[tilespmem:s21], [sflag:$0x1] =	stream.indirect_vreg.gather [hbm4b:s5+s3], $0x80, v3, vm0, $0xb8;
	[tilespmem:$0x18200] =	vst v63  }
0x273: {  	s22 =	simm.s32 $0x14A00  }
0x274: {  	[tilespmem:s22], [sflag:$0x1] =	stream.indirect_vreg.gather [hbm4b:s6+s3], $0x80, v3, vm0, $0xb8;
	[tilespmem:$0x18200] =	vst v63  }
0x275: {  	v3 =	vld [tilespmem:$0x1F0];
	_ =	sdelay $0x4  }
0x276: {  	v63 =	vshrl.u32 v3, $0x3  }
0x277: {  	v4 =	vmul.u32 $0x30, v63  }
0x278: {  	v3 =	vand.u32 $0x7, v3  }
0x279: {  	v3 =	vor.u32 v3, v4  }
0x27a: {  	v4 =	vperm.xlane v3, v0;
	_ =	sdelay $0x1  }
0x27b: {  	v4 =	vadd.s32 v1, v4;
	_ =	sdelay $0x3  }
0x27c: {  	s23 =	simm.s32 $0x15200;
	v3 =	vperm.xlane v3, v2  }
0x27d: {  	[tilespmem:s23], [sflag:$0x1] =	stream.indirect_vreg.gather [hbm4b:s2+s3], $0x80, v4, vm0, $0xb8;
	[tilespmem:$0x18200] =	vst v63  }
0x27e: {  	s24 =	simm.s32 $0x15A00;
	v3 =	vadd.s32 v1, v3  }
0x27f: {  	[tilespmem:s24], [sflag:$0x1] =	stream.indirect_vreg.gather [hbm4b:s5+s3], $0x80, v4, vm0, $0xb8;
	[tilespmem:$0x18200] =	vst v63  }
0x280: {  	s25 =	simm.s32 $0x16200  }
0x281: {  	[tilespmem:s25], [sflag:$0x1] =	stream.indirect_vreg.gather [hbm4b:s6+s3], $0x80, v4, vm0, $0xb8;
	[tilespmem:$0x18200] =	vst v63  }
0x282: {  	s26 =	simm.s32 $0x16A00  }
0x283: {  	[tilespmem:s26], [sflag:$0x1] =	stream.indirect_vreg.gather [hbm4b:s2+s3], $0x80, v3, vm0, $0xb8;
	[tilespmem:$0x18200] =	vst v63  }
0x284: {  	s28 =	simm.s32 $0x17200  }
0x285: {  	[tilespmem:s28], [sflag:$0x1] =	stream.indirect_vreg.gather [hbm4b:s5+s3], $0x80, v3, vm0, $0xb8;
	[tilespmem:$0x18200] =	vst v63  }
0x286: {  	s30 =	simm.s32 $0x17A00  }
0x287: {  	[tilespmem:s30], [sflag:$0x1] =	stream.indirect_vreg.gather [hbm4b:s6+s3], $0x80, v3, vm0, $0xb8;
	[tilespmem:$0x18200] =	vst v63  }
0x288: {  	_ =	swait.ge [sflag:s4], $0x18000  }
0x289: {  	p0 =	sne.s32 s7, $0x1;
	[sflag:s4] =	ssyncset.done $0x0  }
.Ltmp0:
0x28a: {  	s31 =	rddreg [dreg:$0x6];
	[sflag:s4] =	ssyncadd.s32 $0xFFFE8000;
	(pc) =	sbr.rel @p0 .LBB2_1-.Ltmp0, $4  }
0x28b: {  	[hbm4b:s31+s3] =	stream.linear.scatter [tilespmem:s29], [sflag:$0x2], $0x18000, $0x38;
	[tilespmem:$0x18200] =	vst v63  }
0x28c: {  	_ =	swait.ge [sflag:s8], $0x18000  }
0x28d: {  	[sflag:s8] =	ssyncset.done $0x0  }
0x28e: {  	s7 =	sadd.s32 $0xFFFFFFFF, s7;
	[sflag:s8] =	ssyncadd.s32 $0xFFFE8000  }
0x28f: {  	_ =	sfence.sel $0x180000  }
0x290: {  	[bflag:$0x0] =	sbarrier.arrive $0xFFFF  }
0x291: {  	_ =	strace $0x90000047  }
0x292: {  	s0 =	stileid.u32;
	[bflag:$0x2] =	sbarrier.arrive $0xFFFF  }
0x293: {  	p0 =	sne.s32 s0, $0x0;
	s0 =	rddreg [dreg:$0x2]  }
0x294: {  	s0 =	sadd.s32 @!p0 $0x100000, s0  }
0x295: {  	[sflag:s0] =	ssyncadd.tile.s32 @!p0 $0x1;
	_ =	shalt  }
.Lfunc_end2:
_tile_overlayer_lowered:
.L_overlay_start_2:
0x296: {  	(tag) =	ssettag $0x2  }
0x297: {  	s0 =	rddreg [dreg:$0x0];
	s2 =	stileid.u32  }
0x298: {  	s1 =	rddreg [dreg:$0x1];
	p0 =	sne.s32 s2, $0x0  }
0x299: {  	s3 =	rddreg [dreg:$0x2];
	[bflag:$0x3] =	sbarrier.arrive $0xFFFF;
	s2 =	simm.s32 @!p0 $0x1C02  }
0x29a: {  	[timem:s3], [sflag:s2] =	dma.local @!p0 [hbm:s0], s1  }
0x29b: {  	s0 =	simm.s32 @!p0 $0x2  }
0x29c: {  	_ =	swait.ge @!p0 [sflag:s0], s1  }
0x29d: {  	s1 =	ssub.s32 @!p0 $0x0, s1;
	[sflag:s0] =	ssyncset.done @!p0 $0x0  }
0x29e: {  	[sflag:s0] =	ssyncadd.s32 @!p0 s1  }
0x29f: {  	[bflag:$0x3] =	sbarrier.arrive $0xFFFF  }
0x2a0: {  	_ =	shalt  }

</sc_bundles>
